<compile_context>
chip_gen: v7x
topology: tpu7x:2x2x1
jax: 0.10.2.dev20260603
libtpu: 0.0.44.dev20260713+nightly
codegen_flags: <defaults>
</compile_context>

<pallas_src>
import functools

import jax
import jax.numpy as jnp
from jax import lax
from jax.experimental import pallas as pl
from jax.experimental.pallas import tpu as pltpu
from jax.experimental.pallas import tpu_sc as plsc

N_NODES = 100000
N_PAIRS = 3200000
NC = 2
NS = 16
NW = NC * NS

PAIRS_PER_W = N_PAIRS // NW
C = 1000
NCHUNK = PAIRS_PER_W // C

_mesh = plsc.VectorSubcoreMesh(core_axis_name="c", subcore_axis_name="s")


@functools.partial(
    pl.kernel,
    mesh=_mesh,
    out_type=jax.ShapeDtypeStruct((NW, 16), jnp.float32),
    scratch_types=[
        pltpu.VMEM((2, C), jnp.int32),
        pltpu.VMEM((2, C), jnp.int32),
        pltpu.VMEM((2, C, 16), jnp.float32),
        pltpu.VMEM((2, C, 16), jnp.float32),
        pltpu.VMEM((16,), jnp.float32),
        pltpu.SemaphoreType.DMA,
        pltpu.SemaphoreType.DMA,
    ],
    compiler_params=pltpu.CompilerParams(use_tc_tiling_on_sc=False),
)
def _smoothness_kernel(x_hbm, icol_hbm, jcol_hbm, out_hbm, idxi_v, idxj_v,
                       rowsi_v, rowsj_v, acc_v, sem0, sem1):
    wid = lax.axis_index("s") * NC + lax.axis_index("c")
    base = wid * PAIRS_PER_W
    sems = (sem0, sem1)

    def fetch(c_i, b):
        off = pl.multiple_of(base + c_i * C, 8)
        pltpu.sync_copy(icol_hbm.at[pl.ds(off, C)], idxi_v.at[b])
        pltpu.sync_copy(jcol_hbm.at[pl.ds(off, C)], idxj_v.at[b])
        pltpu.async_copy(x_hbm.at[idxi_v.at[b]], rowsi_v.at[b], sems[b])
        pltpu.async_copy(x_hbm.at[idxj_v.at[b]], rowsj_v.at[b], sems[b])

    def drain(b):
        pltpu.make_async_copy(x_hbm.at[idxi_v.at[b]], rowsi_v.at[b],
                              sems[b]).wait()
        pltpu.make_async_copy(x_hbm.at[idxj_v.at[b]], rowsj_v.at[b],
                              sems[b]).wait()

    fetch(0, 0)

    def step(t, acc):
        for b in (0, 1):
            c_i = 2 * t + b

            @pl.when(c_i + 1 < NCHUNK)
            def _():
                fetch(c_i + 1, 1 - b)

            drain(b)

            def pair_body(k, a):
                d = rowsi_v[b, k] - rowsj_v[b, k]
                return a + d * d

            acc = lax.fori_loop(0, C, pair_body, acc, unroll=8)
        return acc

    acc = lax.fori_loop(0, NCHUNK // 2, step,
                        jnp.zeros((16,), jnp.float32))
    acc_v[...] = acc
    pltpu.sync_copy(acc_v, out_hbm.at[wid])


def kernel(A, all_neighbors):
    x = (A + jnp.float32(0.0)).reshape(N_NODES, 16)
    icol = all_neighbors[:, 0]
    jcol = all_neighbors[:, 1]
    partial = _smoothness_kernel(x, icol, jcol)
    return jnp.sum(partial)

# --- scband reference (transcript-rebuilt; emitter-appended) ---
"""Pipeline reference for scband-smoothness-loss-38525856645462 (READ-ONLY COPY).

The authoritative reference and input builder live on the scoring server;
editing this copy changes nothing except your own understanding.
"""

import jax, jax.numpy as jnp
import numpy as np

N_NODES = 100000
N_PAIRS = 3200000

def setup_inputs(seed: int = 0) -> dict:
    key = jax.random.key(seed)
    k1, k2 = jax.random.split(key)
    A = jax.random.normal(k1, (N_NODES, 4, 4), dtype=jnp.float32)
    all_neighbors = jax.random.randint(k2, (N_PAIRS, 2), 0, N_NODES, dtype=jnp.int64 if jax.config.jax_enable_x64 else jnp.int32).astype(jnp.int32)
    return {"A": A, "all_neighbors": all_neighbors}

def reference(A, all_neighbors):
    # Gather transforms for each endpoint of each neighbor pair
    a0 = jnp.take(A, all_neighbors[:, 0], axis=0)  # [P, 4, 4]
    a1 = jnp.take(A, all_neighbors[:, 1], axis=0)  # [P, 4, 4]
    diff = a0 - a1
    return jnp.sum(jnp.abs(diff) ** 2)

if __name__ == "__main__":
    import jax
    _d = setup_inputs()
    print(jax.jit(kernel)(*tuple(_d.values())))

</pallas_src>

<mosaic_0001>
#map = affine_map<(d0, d1) -> (0, 0)>
#map1 = affine_map<(d0, d1) -> (0)>
module attributes {stable_mosaic.version = 14 : i64} {
  func.func @_smoothness_kernel(%arg0: i32, %arg1: i32, %arg2: memref<100000x16xf32, #tpu.memory_space<hbm>>, %arg3: memref<3200000xi32, #tpu.memory_space<hbm>>, %arg4: memref<3200000xi32, #tpu.memory_space<hbm>>, %arg5: memref<32x16xf32, #tpu.memory_space<hbm>>, %arg6: memref<2x1000xi32, #tpu.memory_space<vmem>>, %arg7: memref<2x1000xi32, #tpu.memory_space<vmem>>, %arg8: memref<2x1000x16xf32, #tpu.memory_space<vmem>>, %arg9: memref<2x1000x16xf32, #tpu.memory_space<vmem>>, %arg10: memref<16xf32, #tpu.memory_space<vmem>>, %arg11: memref<!tpu.dma_semaphore, #tpu.memory_space<semaphore_mem>>, %arg12: memref<!tpu.dma_semaphore, #tpu.memory_space<semaphore_mem>>) attributes {dimension_semantics = [#tpu.dimension_semantics<core_parallel>, #tpu.dimension_semantics<subcore_parallel>], iteration_bounds = array<i64: 2, 16>, scalar_prefetch = 0 : i64, scratch_operands = 7 : i64, tpu.core_type = #tpu.core_type<sc_vector_subcore>, window_params = [{transform_indices = #map}, {transform_indices = #map1}, {transform_indices = #map1}, {transform_indices = #map}]} {
    %mul3A = arith.constant 2 : i32
    %mul3A_0 = arith.muli %arg1, %mul3A : i32
    %add3A = arith.addi %mul3A_0, %arg0 : i32
    %mul3A_1 = arith.constant 100000 : i32
    %mul3A_2 = arith.muli %add3A, %mul3A_1 : i32
    %add3A_3 = arith.constant 0 : i32
    %add3A_4 = arith.addi %mul3A_2, %add3A_3 : i32
    %multiple_of3A = tpu.assume_multiple %add3A_4, 8 : i32
    %run_scoped3A = arith.constant 0 : i32
    "tpu.region"() ({
      %run_scoped3A_38 = tpu.sem_alloc : memref<!tpu.dma_semaphore, #tpu.memory_space<semaphore_mem>>
      %dma_start3A_39 = arith.constant 0 : i32
      %dma_start3A_40 = tpu.memref_slice %arg6[%run_scoped3A, %dma_start3A_39] : memref<2x1000xi32, #tpu.memory_space<vmem>> -> memref<1x1000xi32, #tpu.memory_space<vmem>>
      %dma_start3A_41 = tpu.memref_squeeze %dma_start3A_40 : memref<1x1000xi32, #tpu.memory_space<vmem>> -> memref<1000xi32, #tpu.memory_space<vmem>>
      %dma_start3A_42 = tpu.memref_slice %arg3[%multiple_of3A] : memref<3200000xi32, #tpu.memory_space<hbm>> -> memref<1000xi32, #tpu.memory_space<hbm>>
      %dma_start3A_43 = arith.constant 0 : i32
      %dma_start3A_44 = tpu.memref_slice %arg6[%run_scoped3A, %dma_start3A_43] : memref<2x1000xi32, #tpu.memory_space<vmem>> -> memref<1x1000xi32, #tpu.memory_space<vmem>>
      %dma_start3A_45 = tpu.memref_squeeze %dma_start3A_44 : memref<1x1000xi32, #tpu.memory_space<vmem>> -> memref<1000xi32, #tpu.memory_space<vmem>>
      %dma_start3A_46 = tpu.memref_slice %arg3[%multiple_of3A] : memref<3200000xi32, #tpu.memory_space<hbm>> -> memref<1000xi32, #tpu.memory_space<hbm>>
      tpu.enqueue_dma source(%dma_start3A_46 : memref<1000xi32, #tpu.memory_space<hbm>>) target(%dma_start3A_45 : memref<1000xi32, #tpu.memory_space<vmem>>) target_semaphore(%run_scoped3A_38 : memref<!tpu.dma_semaphore, #tpu.memory_space<semaphore_mem>>)
      %dma_wait3A = arith.constant 0 : i32
      %dma_wait3A_47 = tpu.memref_slice %arg6[%run_scoped3A, %dma_wait3A] : memref<2x1000xi32, #tpu.memory_space<vmem>> -> memref<1x1000xi32, #tpu.memory_space<vmem>>
      %dma_wait3A_48 = tpu.memref_squeeze %dma_wait3A_47 : memref<1x1000xi32, #tpu.memory_space<vmem>> -> memref<1000xi32, #tpu.memory_space<vmem>>
      %dma_wait3A_49 = tpu.memref_slice %arg3[%multiple_of3A] : memref<3200000xi32, #tpu.memory_space<hbm>> -> memref<1000xi32, #tpu.memory_space<hbm>>
      %dma_wait3A_50 = arith.constant 0 : i32
      %dma_wait3A_51 = tpu.memref_slice %arg6[%run_scoped3A, %dma_wait3A_50] : memref<2x1000xi32, #tpu.memory_space<vmem>> -> memref<1x1000xi32, #tpu.memory_space<vmem>>
      %dma_wait3A_52 = tpu.memref_squeeze %dma_wait3A_51 : memref<1x1000xi32, #tpu.memory_space<vmem>> -> memref<1000xi32, #tpu.memory_space<vmem>>
      %dma_wait3A_53 = tpu.memref_slice %arg3[%multiple_of3A] : memref<3200000xi32, #tpu.memory_space<hbm>> -> memref<1000xi32, #tpu.memory_space<hbm>>
      tpu.wait_dma2 semaphore(%run_scoped3A_38 : memref<!tpu.dma_semaphore, #tpu.memory_space<semaphore_mem>>) src(%dma_wait3A_53 : memref<1000xi32, #tpu.memory_space<hbm>>) dst(%dma_wait3A_52 : memref<1000xi32, #tpu.memory_space<vmem>>)
      tpu.yield
    }) : () -> ()
    %run_scoped3A_5 = arith.constant 0 : i32
    "tpu.region"() ({
      %run_scoped3A_38 = tpu.sem_alloc : memref<!tpu.dma_semaphore, #tpu.memory_space<semaphore_mem>>
      %dma_start3A_39 = arith.constant 0 : i32
      %dma_start3A_40 = tpu.memref_slice %arg7[%run_scoped3A_5, %dma_start3A_39] : memref<2x1000xi32, #tpu.memory_space<vmem>> -> memref<1x1000xi32, #tpu.memory_space<vmem>>
      %dma_start3A_41 = tpu.memref_squeeze %dma_start3A_40 : memref<1x1000xi32, #tpu.memory_space<vmem>> -> memref<1000xi32, #tpu.memory_space<vmem>>
      %dma_start3A_42 = tpu.memref_slice %arg4[%multiple_of3A] : memref<3200000xi32, #tpu.memory_space<hbm>> -> memref<1000xi32, #tpu.memory_space<hbm>>
      %dma_start3A_43 = arith.constant 0 : i32
      %dma_start3A_44 = tpu.memref_slice %arg7[%run_scoped3A_5, %dma_start3A_43] : memref<2x1000xi32, #tpu.memory_space<vmem>> -> memref<1x1000xi32, #tpu.memory_space<vmem>>
      %dma_start3A_45 = tpu.memref_squeeze %dma_start3A_44 : memref<1x1000xi32, #tpu.memory_space<vmem>> -> memref<1000xi32, #tpu.memory_space<vmem>>
      %dma_start3A_46 = tpu.memref_slice %arg4[%multiple_of3A] : memref<3200000xi32, #tpu.memory_space<hbm>> -> memref<1000xi32, #tpu.memory_space<hbm>>
      tpu.enqueue_dma source(%dma_start3A_46 : memref<1000xi32, #tpu.memory_space<hbm>>) target(%dma_start3A_45 : memref<1000xi32, #tpu.memory_space<vmem>>) target_semaphore(%run_scoped3A_38 : memref<!tpu.dma_semaphore, #tpu.memory_space<semaphore_mem>>)
      %dma_wait3A = arith.constant 0 : i32
      %dma_wait3A_47 = tpu.memref_slice %arg7[%run_scoped3A_5, %dma_wait3A] : memref<2x1000xi32, #tpu.memory_space<vmem>> -> memref<1x1000xi32, #tpu.memory_space<vmem>>
      %dma_wait3A_48 = tpu.memref_squeeze %dma_wait3A_47 : memref<1x1000xi32, #tpu.memory_space<vmem>> -> memref<1000xi32, #tpu.memory_space<vmem>>
      %dma_wait3A_49 = tpu.memref_slice %arg4[%multiple_of3A] : memref<3200000xi32, #tpu.memory_space<hbm>> -> memref<1000xi32, #tpu.memory_space<hbm>>
      %dma_wait3A_50 = arith.constant 0 : i32
      %dma_wait3A_51 = tpu.memref_slice %arg7[%run_scoped3A_5, %dma_wait3A_50] : memref<2x1000xi32, #tpu.memory_space<vmem>> -> memref<1x1000xi32, #tpu.memory_space<vmem>>
      %dma_wait3A_52 = tpu.memref_squeeze %dma_wait3A_51 : memref<1x1000xi32, #tpu.memory_space<vmem>> -> memref<1000xi32, #tpu.memory_space<vmem>>
      %dma_wait3A_53 = tpu.memref_slice %arg4[%multiple_of3A] : memref<3200000xi32, #tpu.memory_space<hbm>> -> memref<1000xi32, #tpu.memory_space<hbm>>
      tpu.wait_dma2 semaphore(%run_scoped3A_38 : memref<!tpu.dma_semaphore, #tpu.memory_space<semaphore_mem>>) src(%dma_wait3A_53 : memref<1000xi32, #tpu.memory_space<hbm>>) dst(%dma_wait3A_52 : memref<1000xi32, #tpu.memory_space<vmem>>)
      tpu.yield
    }) : () -> ()
    %dma_start3A = arith.constant 0 : i32
    %dma_start3A_6 = arith.constant 0 : i32
    %dma_start3A_7 = arith.constant 0 : i32
    %dma_start3A_8 = arith.constant 0 : i32
    %dma_start3A_9 = tpu.memref_slice %arg8[%dma_start3A_6, %dma_start3A_7, %dma_start3A_8] : memref<2x1000x16xf32, #tpu.memory_space<vmem>> -> memref<1x1000x16xf32, #tpu.memory_space<vmem>>
    %dma_start3A_10 = tpu.memref_squeeze %dma_start3A_9 : memref<1x1000x16xf32, #tpu.memory_space<vmem>> -> memref<1000x16xf32, #tpu.memory_space<vmem>>
    %dma_start3A_11 = arith.constant 0 : i32
    %dma_start3A_12 = tpu.memref_slice %arg6[%dma_start3A, %dma_start3A_11] : memref<2x1000xi32, #tpu.memory_space<vmem>> -> memref<1x1000xi32, #tpu.memory_space<vmem>>
    %dma_start3A_13 = tpu.memref_squeeze %dma_start3A_12 : memref<1x1000xi32, #tpu.memory_space<vmem>> -> memref<1000xi32, #tpu.memory_space<vmem>>
    %dma_start3A_14 = arith.constant 0 : i32
    %dma_start3A_15 = arith.constant 0 : i32
    %dma_start3A_16 = tpu.memref_slice %arg2[%dma_start3A_14, %dma_start3A_15] : memref<100000x16xf32, #tpu.memory_space<hbm>> -> memref<100000x16xf32, #tpu.memory_space<hbm>>
    tpu.enqueue_indirect_dma source(%dma_start3A_16 : memref<100000x16xf32, #tpu.memory_space<hbm>>) target(%dma_start3A_10 : memref<1000x16xf32, #tpu.memory_space<vmem>>) offsets(%dma_start3A_13 : memref<1000xi32, #tpu.memory_space<vmem>>) semaphore(%arg11 : memref<!tpu.dma_semaphore, #tpu.memory_space<semaphore_mem>>)
    %dma_start3A_17 = arith.constant 0 : i32
    %dma_start3A_18 = arith.constant 0 : i32
    %dma_start3A_19 = arith.constant 0 : i32
    %dma_start3A_20 = arith.constant 0 : i32
    %dma_start3A_21 = tpu.memref_slice %arg9[%dma_start3A_18, %dma_start3A_19, %dma_start3A_20] : memref<2x1000x16xf32, #tpu.memory_space<vmem>> -> memref<1x1000x16xf32, #tpu.memory_space<vmem>>
    %dma_start3A_22 = tpu.memref_squeeze %dma_start3A_21 : memref<1x1000x16xf32, #tpu.memory_space<vmem>> -> memref<1000x16xf32, #tpu.memory_space<vmem>>
    %dma_start3A_23 = arith.constant 0 : i32
    %dma_start3A_24 = tpu.memref_slice %arg7[%dma_start3A_17, %dma_start3A_23] : memref<2x1000xi32, #tpu.memory_space<vmem>> -> memref<1x1000xi32, #tpu.memory_space<vmem>>
    %dma_start3A_25 = tpu.memref_squeeze %dma_start3A_24 : memref<1x1000xi32, #tpu.memory_space<vmem>> -> memref<1000xi32, #tpu.memory_space<vmem>>
    %dma_start3A_26 = arith.constant 0 : i32
    %dma_start3A_27 = arith.constant 0 : i32
    %dma_start3A_28 = tpu.memref_slice %arg2[%dma_start3A_26, %dma_start3A_27] : memref<100000x16xf32, #tpu.memory_space<hbm>> -> memref<100000x16xf32, #tpu.memory_space<hbm>>
    tpu.enqueue_indirect_dma source(%dma_start3A_28 : memref<100000x16xf32, #tpu.memory_space<hbm>>) target(%dma_start3A_22 : memref<1000x16xf32, #tpu.memory_space<vmem>>) offsets(%dma_start3A_25 : memref<1000xi32, #tpu.memory_space<vmem>>) semaphore(%arg11 : memref<!tpu.dma_semaphore, #tpu.memory_space<semaphore_mem>>)
    %broadcast_in_dim3A = arith.constant 0.000000e+00 : f32
    %broadcast_in_dim3A_29 = vector.broadcast %broadcast_in_dim3A : f32 to vector<16xf32>
    %scan3A = arith.constant 0 : i32
    %scan3A_30 = arith.constant 50 : i32
    %scan3A_31 = arith.addi %scan3A, %scan3A_30 : i32
    %scan3A_32 = arith.constant 1 : i32
    %scan3A_33 = scf.for %scan3A_38 = %scan3A to %scan3A_31 step %scan3A_32 iter_args(%scan3A_39 = %broadcast_in_dim3A_29) -> (vector<16xf32>)  : i32 {
      %mul3A_40 = arith.constant 2 : i32
      %mul3A_41 = arith.muli %mul3A_40, %scan3A_38 : i32
      %add3A_42 = arith.constant 0 : i32
      %add3A_43 = arith.addi %mul3A_41, %add3A_42 : i32
      %add3A_44 = arith.constant 1 : i32
      %add3A_45 = arith.addi %add3A_43, %add3A_44 : i32
      %lt3A = arith.constant 100 : i32
      %lt3A_46 = arith.cmpi slt, %add3A_45, %lt3A : i32
      %convert_element_type3A = arith.extui %lt3A_46 : i1 to i32
      %cond3A = arith.constant 0 : i32
      %cond3A_47 = arith.cmpi ne, %convert_element_type3A, %cond3A : i32
      scf.if %cond3A_47 {
        %add3A_118 = arith.constant 1 : i32
        %add3A_119 = arith.addi %add3A_43, %add3A_118 : i32
        %mul3A_120 = arith.constant 1000 : i32
        %mul3A_121 = arith.muli %add3A_119, %mul3A_120 : i32
        %add3A_122 = arith.addi %mul3A_2, %mul3A_121 : i32
        %multiple_of3A_123 = tpu.assume_multiple %add3A_122, 8 : i32
        %run_scoped3A_124 = arith.constant 1 : i32
        "tpu.region"() ({
          %run_scoped3A_150 = tpu.sem_alloc : memref<!tpu.dma_semaphore, #tpu.memory_space<semaphore_mem>>
          %dma_start3A_151 = arith.constant 0 : i32
          %dma_start3A_152 = tpu.memref_slice %arg6[%run_scoped3A_124, %dma_start3A_151] : memref<2x1000xi32, #tpu.memory_space<vmem>> -> memref<1x1000xi32, #tpu.memory_space<vmem>>
          %dma_start3A_153 = tpu.memref_squeeze %dma_start3A_152 : memref<1x1000xi32, #tpu.memory_space<vmem>> -> memref<1000xi32, #tpu.memory_space<vmem>>
          %dma_start3A_154 = tpu.memref_slice %arg3[%multiple_of3A_123] : memref<3200000xi32, #tpu.memory_space<hbm>> -> memref<1000xi32, #tpu.memory_space<hbm>>
          %dma_start3A_155 = arith.constant 0 : i32
          %dma_start3A_156 = tpu.memref_slice %arg6[%run_scoped3A_124, %dma_start3A_155] : memref<2x1000xi32, #tpu.memory_space<vmem>> -> memref<1x1000xi32, #tpu.memory_space<vmem>>
          %dma_start3A_157 = tpu.memref_squeeze %dma_start3A_156 : memref<1x1000xi32, #tpu.memory_space<vmem>> -> memref<1000xi32, #tpu.memory_space<vmem>>
          %dma_start3A_158 = tpu.memref_slice %arg3[%multiple_of3A_123] : memref<3200000xi32, #tpu.memory_space<hbm>> -> memref<1000xi32, #tpu.memory_space<hbm>>
          tpu.enqueue_dma source(%dma_start3A_158 : memref<1000xi32, #tpu.memory_space<hbm>>) target(%dma_start3A_157 : memref<1000xi32, #tpu.memory_space<vmem>>) target_semaphore(%run_scoped3A_150 : memref<!tpu.dma_semaphore, #tpu.memory_space<semaphore_mem>>)
          %dma_wait3A_159 = arith.constant 0 : i32
          %dma_wait3A_160 = tpu.memref_slice %arg6[%run_scoped3A_124, %dma_wait3A_159] : memref<2x1000xi32, #tpu.memory_space<vmem>> -> memref<1x1000xi32, #tpu.memory_space<vmem>>
          %dma_wait3A_161 = tpu.memref_squeeze %dma_wait3A_160 : memref<1x1000xi32, #tpu.memory_space<vmem>> -> memref<1000xi32, #tpu.memory_space<vmem>>
          %dma_wait3A_162 = tpu.memref_slice %arg3[%multiple_of3A_123] : memref<3200000xi32, #tpu.memory_space<hbm>> -> memref<1000xi32, #tpu.memory_space<hbm>>
          %dma_wait3A_163 = arith.constant 0 : i32
          %dma_wait3A_164 = tpu.memref_slice %arg6[%run_scoped3A_124, %dma_wait3A_163] : memref<2x1000xi32, #tpu.memory_space<vmem>> -> memref<1x1000xi32, #tpu.memory_space<vmem>>
          %dma_wait3A_165 = tpu.memref_squeeze %dma_wait3A_164 : memref<1x1000xi32, #tpu.memory_space<vmem>> -> memref<1000xi32, #tpu.memory_space<vmem>>
          %dma_wait3A_166 = tpu.memref_slice %arg3[%multiple_of3A_123] : memref<3200000xi32, #tpu.memory_space<hbm>> -> memref<1000xi32, #tpu.memory_space<hbm>>
          tpu.wait_dma2 semaphore(%run_scoped3A_150 : memref<!tpu.dma_semaphore, #tpu.memory_space<semaphore_mem>>) src(%dma_wait3A_166 : memref<1000xi32, #tpu.memory_space<hbm>>) dst(%dma_wait3A_165 : memref<1000xi32, #tpu.memory_space<vmem>>)
          tpu.yield
        }) : () -> ()
        %run_scoped3A_125 = arith.constant 1 : i32
        "tpu.region"() ({
          %run_scoped3A_150 = tpu.sem_alloc : memref<!tpu.dma_semaphore, #tpu.memory_space<semaphore_mem>>
          %dma_start3A_151 = arith.constant 0 : i32
          %dma_start3A_152 = tpu.memref_slice %arg7[%run_scoped3A_125, %dma_start3A_151] : memref<2x1000xi32, #tpu.memory_space<vmem>> -> memref<1x1000xi32, #tpu.memory_space<vmem>>
          %dma_start3A_153 = tpu.memref_squeeze %dma_start3A_152 : memref<1x1000xi32, #tpu.memory_space<vmem>> -> memref<1000xi32, #tpu.memory_space<vmem>>
          %dma_start3A_154 = tpu.memref_slice %arg4[%multiple_of3A_123] : memref<3200000xi32, #tpu.memory_space<hbm>> -> memref<1000xi32, #tpu.memory_space<hbm>>
          %dma_start3A_155 = arith.constant 0 : i32
          %dma_start3A_156 = tpu.memref_slice %arg7[%run_scoped3A_125, %dma_start3A_155] : memref<2x1000xi32, #tpu.memory_space<vmem>> -> memref<1x1000xi32, #tpu.memory_space<vmem>>
          %dma_start3A_157 = tpu.memref_squeeze %dma_start3A_156 : memref<1x1000xi32, #tpu.memory_space<vmem>> -> memref<1000xi32, #tpu.memory_space<vmem>>
          %dma_start3A_158 = tpu.memref_slice %arg4[%multiple_of3A_123] : memref<3200000xi32, #tpu.memory_space<hbm>> -> memref<1000xi32, #tpu.memory_space<hbm>>
          tpu.enqueue_dma source(%dma_start3A_158 : memref<1000xi32, #tpu.memory_space<hbm>>) target(%dma_start3A_157 : memref<1000xi32, #tpu.memory_space<vmem>>) target_semaphore(%run_scoped3A_150 : memref<!tpu.dma_semaphore, #tpu.memory_space<semaphore_mem>>)
          %dma_wait3A_159 = arith.constant 0 : i32
          %dma_wait3A_160 = tpu.memref_slice %arg7[%run_scoped3A_125, %dma_wait3A_159] : memref<2x1000xi32, #tpu.memory_space<vmem>> -> memref<1x1000xi32, #tpu.memory_space<vmem>>
          %dma_wait3A_161 = tpu.memref_squeeze %dma_wait3A_160 : memref<1x1000xi32, #tpu.memory_space<vmem>> -> memref<1000xi32, #tpu.memory_space<vmem>>
          %dma_wait3A_162 = tpu.memref_slice %arg4[%multiple_of3A_123] : memref<3200000xi32, #tpu.memory_space<hbm>> -> memref<1000xi32, #tpu.memory_space<hbm>>
          %dma_wait3A_163 = arith.constant 0 : i32
          %dma_wait3A_164 = tpu.memref_slice %arg7[%run_scoped3A_125, %dma_wait3A_163] : memref<2x1000xi32, #tpu.memory_space<vmem>> -> memref<1x1000xi32, #tpu.memory_space<vmem>>
          %dma_wait3A_165 = tpu.memref_squeeze %dma_wait3A_164 : memref<1x1000xi32, #tpu.memory_space<vmem>> -> memref<1000xi32, #tpu.memory_space<vmem>>
          %dma_wait3A_166 = tpu.memref_slice %arg4[%multiple_of3A_123] : memref<3200000xi32, #tpu.memory_space<hbm>> -> memref<1000xi32, #tpu.memory_space<hbm>>
          tpu.wait_dma2 semaphore(%run_scoped3A_150 : memref<!tpu.dma_semaphore, #tpu.memory_space<semaphore_mem>>) src(%dma_wait3A_166 : memref<1000xi32, #tpu.memory_space<hbm>>) dst(%dma_wait3A_165 : memref<1000xi32, #tpu.memory_space<vmem>>)
          tpu.yield
        }) : () -> ()
        %dma_start3A_126 = arith.constant 1 : i32
        %dma_start3A_127 = arith.constant 1 : i32
        %dma_start3A_128 = arith.constant 0 : i32
        %dma_start3A_129 = arith.constant 0 : i32
        %dma_start3A_130 = tpu.memref_slice %arg8[%dma_start3A_127, %dma_start3A_128, %dma_start3A_129] : memref<2x1000x16xf32, #tpu.memory_space<vmem>> -> memref<1x1000x16xf32, #tpu.memory_space<vmem>>
        %dma_start3A_131 = tpu.memref_squeeze %dma_start3A_130 : memref<1x1000x16xf32, #tpu.memory_space<vmem>> -> memref<1000x16xf32, #tpu.memory_space<vmem>>
        %dma_start3A_132 = arith.constant 0 : i32
        %dma_start3A_133 = tpu.memref_slice %arg6[%dma_start3A_126, %dma_start3A_132] : memref<2x1000xi32, #tpu.memory_space<vmem>> -> memref<1x1000xi32, #tpu.memory_space<vmem>>
        %dma_start3A_134 = tpu.memref_squeeze %dma_start3A_133 : memref<1x1000xi32, #tpu.memory_space<vmem>> -> memref<1000xi32, #tpu.memory_space<vmem>>
        %dma_start3A_135 = arith.constant 0 : i32
        %dma_start3A_136 = arith.constant 0 : i32
        %dma_start3A_137 = tpu.memref_slice %arg2[%dma_start3A_135, %dma_start3A_136] : memref<100000x16xf32, #tpu.memory_space<hbm>> -> memref<100000x16xf32, #tpu.memory_space<hbm>>
        tpu.enqueue_indirect_dma source(%dma_start3A_137 : memref<100000x16xf32, #tpu.memory_space<hbm>>) target(%dma_start3A_131 : memref<1000x16xf32, #tpu.memory_space<vmem>>) offsets(%dma_start3A_134 : memref<1000xi32, #tpu.memory_space<vmem>>) semaphore(%arg12 : memref<!tpu.dma_semaphore, #tpu.memory_space<semaphore_mem>>)
        %dma_start3A_138 = arith.constant 1 : i32
        %dma_start3A_139 = arith.constant 1 : i32
        %dma_start3A_140 = arith.constant 0 : i32
        %dma_start3A_141 = arith.constant 0 : i32
        %dma_start3A_142 = tpu.memref_slice %arg9[%dma_start3A_139, %dma_start3A_140, %dma_start3A_141] : memref<2x1000x16xf32, #tpu.memory_space<vmem>> -> memref<1x1000x16xf32, #tpu.memory_space<vmem>>
        %dma_start3A_143 = tpu.memref_squeeze %dma_start3A_142 : memref<1x1000x16xf32, #tpu.memory_space<vmem>> -> memref<1000x16xf32, #tpu.memory_space<vmem>>
        %dma_start3A_144 = arith.constant 0 : i32
        %dma_start3A_145 = tpu.memref_slice %arg7[%dma_start3A_138, %dma_start3A_144] : memref<2x1000xi32, #tpu.memory_space<vmem>> -> memref<1x1000xi32, #tpu.memory_space<vmem>>
        %dma_start3A_146 = tpu.memref_squeeze %dma_start3A_145 : memref<1x1000xi32, #tpu.memory_space<vmem>> -> memref<1000xi32, #tpu.memory_space<vmem>>
        %dma_start3A_147 = arith.constant 0 : i32
        %dma_start3A_148 = arith.constant 0 : i32
        %dma_start3A_149 = tpu.memref_slice %arg2[%dma_start3A_147, %dma_start3A_148] : memref<100000x16xf32, #tpu.memory_space<hbm>> -> memref<100000x16xf32, #tpu.memory_space<hbm>>
        tpu.enqueue_indirect_dma source(%dma_start3A_149 : memref<100000x16xf32, #tpu.memory_space<hbm>>) target(%dma_start3A_143 : memref<1000x16xf32, #tpu.memory_space<vmem>>) offsets(%dma_start3A_146 : memref<1000xi32, #tpu.memory_space<vmem>>) semaphore(%arg12 : memref<!tpu.dma_semaphore, #tpu.memory_space<semaphore_mem>>)
      } else {
      }
      %dma_wait3A = arith.constant 0 : i32
      %dma_wait3A_48 = arith.constant 0 : i32
      %dma_wait3A_49 = arith.constant 0 : i32
      %dma_wait3A_50 = arith.constant 0 : i32
      %dma_wait3A_51 = tpu.memref_slice %arg8[%dma_wait3A_48, %dma_wait3A_49, %dma_wait3A_50] : memref<2x1000x16xf32, #tpu.memory_space<vmem>> -> memref<1x1000x16xf32, #tpu.memory_space<vmem>>
      %dma_wait3A_52 = tpu.memref_squeeze %dma_wait3A_51 : memref<1x1000x16xf32, #tpu.memory_space<vmem>> -> memref<1000x16xf32, #tpu.memory_space<vmem>>
      %dma_wait3A_53 = arith.constant 0 : i32
      %dma_wait3A_54 = tpu.memref_slice %arg6[%dma_wait3A, %dma_wait3A_53] : memref<2x1000xi32, #tpu.memory_space<vmem>> -> memref<1x1000xi32, #tpu.memory_space<vmem>>
      %dma_wait3A_55 = tpu.memref_squeeze %dma_wait3A_54 : memref<1x1000xi32, #tpu.memory_space<vmem>> -> memref<1000xi32, #tpu.memory_space<vmem>>
      %dma_wait3A_56 = arith.constant 0 : i32
      %dma_wait3A_57 = arith.constant 0 : i32
      %dma_wait3A_58 = tpu.memref_slice %arg2[%dma_wait3A_56, %dma_wait3A_57] : memref<100000x16xf32, #tpu.memory_space<hbm>> -> memref<100000x16xf32, #tpu.memory_space<hbm>>
      tpu.wait_indirect_dma semaphore(%arg11 : memref<!tpu.dma_semaphore, #tpu.memory_space<semaphore_mem>>) src(%dma_wait3A_58 : memref<100000x16xf32, #tpu.memory_space<hbm>>) dst(%dma_wait3A_52 : memref<1000x16xf32, #tpu.memory_space<vmem>>)
      %dma_wait3A_59 = arith.constant 0 : i32
      %dma_wait3A_60 = arith.constant 0 : i32
      %dma_wait3A_61 = arith.constant 0 : i32
      %dma_wait3A_62 = arith.constant 0 : i32
      %dma_wait3A_63 = tpu.memref_slice %arg9[%dma_wait3A_60, %dma_wait3A_61, %dma_wait3A_62] : memref<2x1000x16xf32, #tpu.memory_space<vmem>> -> memref<1x1000x16xf32, #tpu.memory_space<vmem>>
      %dma_wait3A_64 = tpu.memref_squeeze %dma_wait3A_63 : memref<1x1000x16xf32, #tpu.memory_space<vmem>> -> memref<1000x16xf32, #tpu.memory_space<vmem>>
      %dma_wait3A_65 = arith.constant 0 : i32
      %dma_wait3A_66 = tpu.memref_slice %arg7[%dma_wait3A_59, %dma_wait3A_65] : memref<2x1000xi32, #tpu.memory_space<vmem>> -> memref<1x1000xi32, #tpu.memory_space<vmem>>
      %dma_wait3A_67 = tpu.memref_squeeze %dma_wait3A_66 : memref<1x1000xi32, #tpu.memory_space<vmem>> -> memref<1000xi32, #tpu.memory_space<vmem>>
      %dma_wait3A_68 = arith.constant 0 : i32
      %dma_wait3A_69 = arith.constant 0 : i32
      %dma_wait3A_70 = tpu.memref_slice %arg2[%dma_wait3A_68, %dma_wait3A_69] : memref<100000x16xf32, #tpu.memory_space<hbm>> -> memref<100000x16xf32, #tpu.memory_space<hbm>>
      tpu.wait_indirect_dma semaphore(%arg11 : memref<!tpu.dma_semaphore, #tpu.memory_space<semaphore_mem>>) src(%dma_wait3A_70 : memref<100000x16xf32, #tpu.memory_space<hbm>>) dst(%dma_wait3A_64 : memref<1000x16xf32, #tpu.memory_space<vmem>>)
      %scan3A_71 = arith.constant 0 : i32
      %scan3A_72 = arith.constant 1000 : i32
      %scan3A_73 = arith.addi %scan3A_71, %scan3A_72 : i32
      %scan3A_74 = arith.constant 8 : i32
      %scan3A_75 = scf.for %scan3A_118 = %scan3A_71 to %scan3A_73 step %scan3A_74 iter_args(%scan3A_119 = %scan3A_39) -> (vector<16xf32>)  : i32 {
        %get3A = arith.constant 0 : i32
        %get3A_120 = arith.index_cast %get3A : i32 to index
        %get3A_121 = arith.index_cast %scan3A_118 : i32 to index
        %get3A_122 = arith.constant 0 : index
        %get3A_123 = tpu.vector_load %arg8[%get3A_120, %get3A_121, %get3A_122] {strides = array<i32>} : memref<2x1000x16xf32, #tpu.memory_space<vmem>>, vector<1x1x16xf32>,
        %get3A_124 = vector.shape_cast %get3A_123 : vector<1x1x16xf32> to vector<16xf32>
        %get3A_125 = arith.constant 0 : i32
        %get3A_126 = arith.index_cast %get3A_125 : i32 to index
        %get3A_127 = arith.index_cast %scan3A_118 : i32 to index
        %get3A_128 = arith.constant 0 : index
        %get3A_129 = tpu.vector_load %arg9[%get3A_126, %get3A_127, %get3A_128] {strides = array<i32>} : memref<2x1000x16xf32, #tpu.memory_space<vmem>>, vector<1x1x16xf32>,
        %get3A_130 = vector.shape_cast %get3A_129 : vector<1x1x16xf32> to vector<16xf32>
        %sub3A = arith.subf %get3A_124, %get3A_130 : vector<16xf32>
        %mul3A_131 = arith.mulf %sub3A, %sub3A : vector<16xf32>
        %add3A_132 = arith.addf %scan3A_119, %mul3A_131 : vector<16xf32>
        %scan3A_133 = arith.constant 1 : i32
        %scan3A_134 = arith.addi %scan3A_118, %scan3A_133 : i32
        %get3A_135 = arith.constant 0 : i32
        %get3A_136 = arith.index_cast %get3A_135 : i32 to index
        %get3A_137 = arith.index_cast %scan3A_134 : i32 to index
        %get3A_138 = arith.constant 0 : index
        %get3A_139 = tpu.vector_load %arg8[%get3A_136, %get3A_137, %get3A_138] {strides = array<i32>} : memref<2x1000x16xf32, #tpu.memory_space<vmem>>, vector<1x1x16xf32>,
        %get3A_140 = vector.shape_cast %get3A_139 : vector<1x1x16xf32> to vector<16xf32>
        %get3A_141 = arith.constant 0 : i32
        %get3A_142 = arith.index_cast %get3A_141 : i32 to index
        %get3A_143 = arith.index_cast %scan3A_134 : i32 to index
        %get3A_144 = arith.constant 0 : index
        %get3A_145 = tpu.vector_load %arg9[%get3A_142, %get3A_143, %get3A_144] {strides = array<i32>} : memref<2x1000x16xf32, #tpu.memory_space<vmem>>, vector<1x1x16xf32>,
        %get3A_146 = vector.shape_cast %get3A_145 : vector<1x1x16xf32> to vector<16xf32>
        %sub3A_147 = arith.subf %get3A_140, %get3A_146 : vector<16xf32>
        %mul3A_148 = arith.mulf %sub3A_147, %sub3A_147 : vector<16xf32>
        %add3A_149 = arith.addf %add3A_132, %mul3A_148 : vector<16xf32>
        %scan3A_150 = arith.constant 2 : i32
        %scan3A_151 = arith.addi %scan3A_118, %scan3A_150 : i32
        %get3A_152 = arith.constant 0 : i32
        %get3A_153 = arith.index_cast %get3A_152 : i32 to index
        %get3A_154 = arith.index_cast %scan3A_151 : i32 to index
        %get3A_155 = arith.constant 0 : index
        %get3A_156 = tpu.vector_load %arg8[%get3A_153, %get3A_154, %get3A_155] {strides = array<i32>} : memref<2x1000x16xf32, #tpu.memory_space<vmem>>, vector<1x1x16xf32>,
        %get3A_157 = vector.shape_cast %get3A_156 : vector<1x1x16xf32> to vector<16xf32>
        %get3A_158 = arith.constant 0 : i32
        %get3A_159 = arith.index_cast %get3A_158 : i32 to index
        %get3A_160 = arith.index_cast %scan3A_151 : i32 to index
        %get3A_161 = arith.constant 0 : index
        %get3A_162 = tpu.vector_load %arg9[%get3A_159, %get3A_160, %get3A_161] {strides = array<i32>} : memref<2x1000x16xf32, #tpu.memory_space<vmem>>, vector<1x1x16xf32>,
        %get3A_163 = vector.shape_cast %get3A_162 : vector<1x1x16xf32> to vector<16xf32>
        %sub3A_164 = arith.subf %get3A_157, %get3A_163 : vector<16xf32>
        %mul3A_165 = arith.mulf %sub3A_164, %sub3A_164 : vector<16xf32>
        %add3A_166 = arith.addf %add3A_149, %mul3A_165 : vector<16xf32>
        %scan3A_167 = arith.constant 3 : i32
        %scan3A_168 = arith.addi %scan3A_118, %scan3A_167 : i32
        %get3A_169 = arith.constant 0 : i32
        %get3A_170 = arith.index_cast %get3A_169 : i32 to index
        %get3A_171 = arith.index_cast %scan3A_168 : i32 to index
        %get3A_172 = arith.constant 0 : index
        %get3A_173 = tpu.vector_load %arg8[%get3A_170, %get3A_171, %get3A_172] {strides = array<i32>} : memref<2x1000x16xf32, #tpu.memory_space<vmem>>, vector<1x1x16xf32>,
        %get3A_174 = vector.shape_cast %get3A_173 : vector<1x1x16xf32> to vector<16xf32>
        %get3A_175 = arith.constant 0 : i32
        %get3A_176 = arith.index_cast %get3A_175 : i32 to index
        %get3A_177 = arith.index_cast %scan3A_168 : i32 to index
        %get3A_178 = arith.constant 0 : index
        %get3A_179 = tpu.vector_load %arg9[%get3A_176, %get3A_177, %get3A_178] {strides = array<i32>} : memref<2x1000x16xf32, #tpu.memory_space<vmem>>, vector<1x1x16xf32>,
        %get3A_180 = vector.shape_cast %get3A_179 : vector<1x1x16xf32> to vector<16xf32>
        %sub3A_181 = arith.subf %get3A_174, %get3A_180 : vector<16xf32>
        %mul3A_182 = arith.mulf %sub3A_181, %sub3A_181 : vector<16xf32>
        %add3A_183 = arith.addf %add3A_166, %mul3A_182 : vector<16xf32>
        %scan3A_184 = arith.constant 4 : i32
        %scan3A_185 = arith.addi %scan3A_118, %scan3A_184 : i32
        %get3A_186 = arith.constant 0 : i32
        %get3A_187 = arith.index_cast %get3A_186 : i32 to index
        %get3A_188 = arith.index_cast %scan3A_185 : i32 to index
        %get3A_189 = arith.constant 0 : index
        %get3A_190 = tpu.vector_load %arg8[%get3A_187, %get3A_188, %get3A_189] {strides = array<i32>} : memref<2x1000x16xf32, #tpu.memory_space<vmem>>, vector<1x1x16xf32>,
        %get3A_191 = vector.shape_cast %get3A_190 : vector<1x1x16xf32> to vector<16xf32>
        %get3A_192 = arith.constant 0 : i32
        %get3A_193 = arith.index_cast %get3A_192 : i32 to index
        %get3A_194 = arith.index_cast %scan3A_185 : i32 to index
        %get3A_195 = arith.constant 0 : index
        %get3A_196 = tpu.vector_load %arg9[%get3A_193, %get3A_194, %get3A_195] {strides = array<i32>} : memref<2x1000x16xf32, #tpu.memory_space<vmem>>, vector<1x1x16xf32>,
        %get3A_197 = vector.shape_cast %get3A_196 : vector<1x1x16xf32> to vector<16xf32>
        %sub3A_198 = arith.subf %get3A_191, %get3A_197 : vector<16xf32>
        %mul3A_199 = arith.mulf %sub3A_198, %sub3A_198 : vector<16xf32>
        %add3A_200 = arith.addf %add3A_183, %mul3A_199 : vector<16xf32>
        %scan3A_201 = arith.constant 5 : i32
        %scan3A_202 = arith.addi %scan3A_118, %scan3A_201 : i32
        %get3A_203 = arith.constant 0 : i32
        %get3A_204 = arith.index_cast %get3A_203 : i32 to index
        %get3A_205 = arith.index_cast %scan3A_202 : i32 to index
        %get3A_206 = arith.constant 0 : index
        %get3A_207 = tpu.vector_load %arg8[%get3A_204, %get3A_205, %get3A_206] {strides = array<i32>} : memref<2x1000x16xf32, #tpu.memory_space<vmem>>, vector<1x1x16xf32>,
        %get3A_208 = vector.shape_cast %get3A_207 : vector<1x1x16xf32> to vector<16xf32>
        %get3A_209 = arith.constant 0 : i32
        %get3A_210 = arith.index_cast %get3A_209 : i32 to index
        %get3A_211 = arith.index_cast %scan3A_202 : i32 to index
        %get3A_212 = arith.constant 0 : index
        %get3A_213 = tpu.vector_load %arg9[%get3A_210, %get3A_211, %get3A_212] {strides = array<i32>} : memref<2x1000x16xf32, #tpu.memory_space<vmem>>, vector<1x1x16xf32>,
        %get3A_214 = vector.shape_cast %get3A_213 : vector<1x1x16xf32> to vector<16xf32>
        %sub3A_215 = arith.subf %get3A_208, %get3A_214 : vector<16xf32>
        %mul3A_216 = arith.mulf %sub3A_215, %sub3A_215 : vector<16xf32>
        %add3A_217 = arith.addf %add3A_200, %mul3A_216 : vector<16xf32>
        %scan3A_218 = arith.constant 6 : i32
        %scan3A_219 = arith.addi %scan3A_118, %scan3A_218 : i32
        %get3A_220 = arith.constant 0 : i32
        %get3A_221 = arith.index_cast %get3A_220 : i32 to index
        %get3A_222 = arith.index_cast %scan3A_219 : i32 to index
        %get3A_223 = arith.constant 0 : index
        %get3A_224 = tpu.vector_load %arg8[%get3A_221, %get3A_222, %get3A_223] {strides = array<i32>} : memref<2x1000x16xf32, #tpu.memory_space<vmem>>, vector<1x1x16xf32>,
        %get3A_225 = vector.shape_cast %get3A_224 : vector<1x1x16xf32> to vector<16xf32>
        %get3A_226 = arith.constant 0 : i32
        %get3A_227 = arith.index_cast %get3A_226 : i32 to index
        %get3A_228 = arith.index_cast %scan3A_219 : i32 to index
        %get3A_229 = arith.constant 0 : index
        %get3A_230 = tpu.vector_load %arg9[%get3A_227, %get3A_228, %get3A_229] {strides = array<i32>} : memref<2x1000x16xf32, #tpu.memory_space<vmem>>, vector<1x1x16xf32>,
        %get3A_231 = vector.shape_cast %get3A_230 : vector<1x1x16xf32> to vector<16xf32>
        %sub3A_232 = arith.subf %get3A_225, %get3A_231 : vector<16xf32>
        %mul3A_233 = arith.mulf %sub3A_232, %sub3A_232 : vector<16xf32>
        %add3A_234 = arith.addf %add3A_217, %mul3A_233 : vector<16xf32>
        %scan3A_235 = arith.constant 7 : i32
        %scan3A_236 = arith.addi %scan3A_118, %scan3A_235 : i32
        %get3A_237 = arith.constant 0 : i32
        %get3A_238 = arith.index_cast %get3A_237 : i32 to index
        %get3A_239 = arith.index_cast %scan3A_236 : i32 to index
        %get3A_240 = arith.constant 0 : index
        %get3A_241 = tpu.vector_load %arg8[%get3A_238, %get3A_239, %get3A_240] {strides = array<i32>} : memref<2x1000x16xf32, #tpu.memory_space<vmem>>, vector<1x1x16xf32>,
        %get3A_242 = vector.shape_cast %get3A_241 : vector<1x1x16xf32> to vector<16xf32>
        %get3A_243 = arith.constant 0 : i32
        %get3A_244 = arith.index_cast %get3A_243 : i32 to index
        %get3A_245 = arith.index_cast %scan3A_236 : i32 to index
        %get3A_246 = arith.constant 0 : index
        %get3A_247 = tpu.vector_load %arg9[%get3A_244, %get3A_245, %get3A_246] {strides = array<i32>} : memref<2x1000x16xf32, #tpu.memory_space<vmem>>, vector<1x1x16xf32>,
        %get3A_248 = vector.shape_cast %get3A_247 : vector<1x1x16xf32> to vector<16xf32>
        %sub3A_249 = arith.subf %get3A_242, %get3A_248 : vector<16xf32>
        %mul3A_250 = arith.mulf %sub3A_249, %sub3A_249 : vector<16xf32>
        %add3A_251 = arith.addf %add3A_234, %mul3A_250 : vector<16xf32>
        scf.yield %add3A_251 : vector<16xf32>
      }
      %scan3A_76 = arith.constant 1000 : i32
      %mul3A_77 = arith.constant 2 : i32
      %mul3A_78 = arith.muli %mul3A_77, %scan3A_38 : i32
      %add3A_79 = arith.constant 1 : i32
      %add3A_80 = arith.addi %mul3A_78, %add3A_79 : i32
      %add3A_81 = arith.constant 1 : i32
      %add3A_82 = arith.addi %add3A_80, %add3A_81 : i32
      %lt3A_83 = arith.constant 100 : i32
      %lt3A_84 = arith.cmpi slt, %add3A_82, %lt3A_83 : i32
      %convert_element_type3A_85 = arith.extui %lt3A_84 : i1 to i32
      %cond3A_86 = arith.constant 0 : i32
      %cond3A_87 = arith.cmpi ne, %convert_element_type3A_85, %cond3A_86 : i32
      scf.if %cond3A_87 {
        %add3A_118 = arith.constant 1 : i32
        %add3A_119 = arith.addi %add3A_80, %add3A_118 : i32
        %mul3A_120 = arith.constant 1000 : i32
        %mul3A_121 = arith.muli %add3A_119, %mul3A_120 : i32
        %add3A_122 = arith.addi %mul3A_2, %mul3A_121 : i32
        %multiple_of3A_123 = tpu.assume_multiple %add3A_122, 8 : i32
        %run_scoped3A_124 = arith.constant 0 : i32
        "tpu.region"() ({
          %run_scoped3A_150 = tpu.sem_alloc : memref<!tpu.dma_semaphore, #tpu.memory_space<semaphore_mem>>
          %dma_start3A_151 = arith.constant 0 : i32
          %dma_start3A_152 = tpu.memref_slice %arg6[%run_scoped3A_124, %dma_start3A_151] : memref<2x1000xi32, #tpu.memory_space<vmem>> -> memref<1x1000xi32, #tpu.memory_space<vmem>>
          %dma_start3A_153 = tpu.memref_squeeze %dma_start3A_152 : memref<1x1000xi32, #tpu.memory_space<vmem>> -> memref<1000xi32, #tpu.memory_space<vmem>>
          %dma_start3A_154 = tpu.memref_slice %arg3[%multiple_of3A_123] : memref<3200000xi32, #tpu.memory_space<hbm>> -> memref<1000xi32, #tpu.memory_space<hbm>>
          %dma_start3A_155 = arith.constant 0 : i32
          %dma_start3A_156 = tpu.memref_slice %arg6[%run_scoped3A_124, %dma_start3A_155] : memref<2x1000xi32, #tpu.memory_space<vmem>> -> memref<1x1000xi32, #tpu.memory_space<vmem>>
          %dma_start3A_157 = tpu.memref_squeeze %dma_start3A_156 : memref<1x1000xi32, #tpu.memory_space<vmem>> -> memref<1000xi32, #tpu.memory_space<vmem>>
          %dma_start3A_158 = tpu.memref_slice %arg3[%multiple_of3A_123] : memref<3200000xi32, #tpu.memory_space<hbm>> -> memref<1000xi32, #tpu.memory_space<hbm>>
          tpu.enqueue_dma source(%dma_start3A_158 : memref<1000xi32, #tpu.memory_space<hbm>>) target(%dma_start3A_157 : memref<1000xi32, #tpu.memory_space<vmem>>) target_semaphore(%run_scoped3A_150 : memref<!tpu.dma_semaphore, #tpu.memory_space<semaphore_mem>>)
          %dma_wait3A_159 = arith.constant 0 : i32
          %dma_wait3A_160 = tpu.memref_slice %arg6[%run_scoped3A_124, %dma_wait3A_159] : memref<2x1000xi32, #tpu.memory_space<vmem>> -> memref<1x1000xi32, #tpu.memory_space<vmem>>
          %dma_wait3A_161 = tpu.memref_squeeze %dma_wait3A_160 : memref<1x1000xi32, #tpu.memory_space<vmem>> -> memref<1000xi32, #tpu.memory_space<vmem>>
          %dma_wait3A_162 = tpu.memref_slice %arg3[%multiple_of3A_123] : memref<3200000xi32, #tpu.memory_space<hbm>> -> memref<1000xi32, #tpu.memory_space<hbm>>
          %dma_wait3A_163 = arith.constant 0 : i32
          %dma_wait3A_164 = tpu.memref_slice %arg6[%run_scoped3A_124, %dma_wait3A_163] : memref<2x1000xi32, #tpu.memory_space<vmem>> -> memref<1x1000xi32, #tpu.memory_space<vmem>>
          %dma_wait3A_165 = tpu.memref_squeeze %dma_wait3A_164 : memref<1x1000xi32, #tpu.memory_space<vmem>> -> memref<1000xi32, #tpu.memory_space<vmem>>
          %dma_wait3A_166 = tpu.memref_slice %arg3[%multiple_of3A_123] : memref<3200000xi32, #tpu.memory_space<hbm>> -> memref<1000xi32, #tpu.memory_space<hbm>>
          tpu.wait_dma2 semaphore(%run_scoped3A_150 : memref<!tpu.dma_semaphore, #tpu.memory_space<semaphore_mem>>) src(%dma_wait3A_166 : memref<1000xi32, #tpu.memory_space<hbm>>) dst(%dma_wait3A_165 : memref<1000xi32, #tpu.memory_space<vmem>>)
          tpu.yield
        }) : () -> ()
        %run_scoped3A_125 = arith.constant 0 : i32
        "tpu.region"() ({
          %run_scoped3A_150 = tpu.sem_alloc : memref<!tpu.dma_semaphore, #tpu.memory_space<semaphore_mem>>
          %dma_start3A_151 = arith.constant 0 : i32
          %dma_start3A_152 = tpu.memref_slice %arg7[%run_scoped3A_125, %dma_start3A_151] : memref<2x1000xi32, #tpu.memory_space<vmem>> -> memref<1x1000xi32, #tpu.memory_space<vmem>>
          %dma_start3A_153 = tpu.memref_squeeze %dma_start3A_152 : memref<1x1000xi32, #tpu.memory_space<vmem>> -> memref<1000xi32, #tpu.memory_space<vmem>>
          %dma_start3A_154 = tpu.memref_slice %arg4[%multiple_of3A_123] : memref<3200000xi32, #tpu.memory_space<hbm>> -> memref<1000xi32, #tpu.memory_space<hbm>>
          %dma_start3A_155 = arith.constant 0 : i32
          %dma_start3A_156 = tpu.memref_slice %arg7[%run_scoped3A_125, %dma_start3A_155] : memref<2x1000xi32, #tpu.memory_space<vmem>> -> memref<1x1000xi32, #tpu.memory_space<vmem>>
          %dma_start3A_157 = tpu.memref_squeeze %dma_start3A_156 : memref<1x1000xi32, #tpu.memory_space<vmem>> -> memref<1000xi32, #tpu.memory_space<vmem>>
          %dma_start3A_158 = tpu.memref_slice %arg4[%multiple_of3A_123] : memref<3200000xi32, #tpu.memory_space<hbm>> -> memref<1000xi32, #tpu.memory_space<hbm>>
          tpu.enqueue_dma source(%dma_start3A_158 : memref<1000xi32, #tpu.memory_space<hbm>>) target(%dma_start3A_157 : memref<1000xi32, #tpu.memory_space<vmem>>) target_semaphore(%run_scoped3A_150 : memref<!tpu.dma_semaphore, #tpu.memory_space<semaphore_mem>>)
          %dma_wait3A_159 = arith.constant 0 : i32
          %dma_wait3A_160 = tpu.memref_slice %arg7[%run_scoped3A_125, %dma_wait3A_159] : memref<2x1000xi32, #tpu.memory_space<vmem>> -> memref<1x1000xi32, #tpu.memory_space<vmem>>
          %dma_wait3A_161 = tpu.memref_squeeze %dma_wait3A_160 : memref<1x1000xi32, #tpu.memory_space<vmem>> -> memref<1000xi32, #tpu.memory_space<vmem>>
          %dma_wait3A_162 = tpu.memref_slice %arg4[%multiple_of3A_123] : memref<3200000xi32, #tpu.memory_space<hbm>> -> memref<1000xi32, #tpu.memory_space<hbm>>
          %dma_wait3A_163 = arith.constant 0 : i32
          %dma_wait3A_164 = tpu.memref_slice %arg7[%run_scoped3A_125, %dma_wait3A_163] : memref<2x1000xi32, #tpu.memory_space<vmem>> -> memref<1x1000xi32, #tpu.memory_space<vmem>>
          %dma_wait3A_165 = tpu.memref_squeeze %dma_wait3A_164 : memref<1x1000xi32, #tpu.memory_space<vmem>> -> memref<1000xi32, #tpu.memory_space<vmem>>
          %dma_wait3A_166 = tpu.memref_slice %arg4[%multiple_of3A_123] : memref<3200000xi32, #tpu.memory_space<hbm>> -> memref<1000xi32, #tpu.memory_space<hbm>>
          tpu.wait_dma2 semaphore(%run_scoped3A_150 : memref<!tpu.dma_semaphore, #tpu.memory_space<semaphore_mem>>) src(%dma_wait3A_166 : memref<1000xi32, #tpu.memory_space<hbm>>) dst(%dma_wait3A_165 : memref<1000xi32, #tpu.memory_space<vmem>>)
          tpu.yield
        }) : () -> ()
        %dma_start3A_126 = arith.constant 0 : i32
        %dma_start3A_127 = arith.constant 0 : i32
        %dma_start3A_128 = arith.constant 0 : i32
        %dma_start3A_129 = arith.constant 0 : i32
        %dma_start3A_130 = tpu.memref_slice %arg8[%dma_start3A_127, %dma_start3A_128, %dma_start3A_129] : memref<2x1000x16xf32, #tpu.memory_space<vmem>> -> memref<1x1000x16xf32, #tpu.memory_space<vmem>>
        %dma_start3A_131 = tpu.memref_squeeze %dma_start3A_130 : memref<1x1000x16xf32, #tpu.memory_space<vmem>> -> memref<1000x16xf32, #tpu.memory_space<vmem>>
        %dma_start3A_132 = arith.constant 0 : i32
        %dma_start3A_133 = tpu.memref_slice %arg6[%dma_start3A_126, %dma_start3A_132] : memref<2x1000xi32, #tpu.memory_space<vmem>> -> memref<1x1000xi32, #tpu.memory_space<vmem>>
        %dma_start3A_134 = tpu.memref_squeeze %dma_start3A_133 : memref<1x1000xi32, #tpu.memory_space<vmem>> -> memref<1000xi32, #tpu.memory_space<vmem>>
        %dma_start3A_135 = arith.constant 0 : i32
        %dma_start3A_136 = arith.constant 0 : i32
        %dma_start3A_137 = tpu.memref_slice %arg2[%dma_start3A_135, %dma_start3A_136] : memref<100000x16xf32, #tpu.memory_space<hbm>> -> memref<100000x16xf32, #tpu.memory_space<hbm>>
        tpu.enqueue_indirect_dma source(%dma_start3A_137 : memref<100000x16xf32, #tpu.memory_space<hbm>>) target(%dma_start3A_131 : memref<1000x16xf32, #tpu.memory_space<vmem>>) offsets(%dma_start3A_134 : memref<1000xi32, #tpu.memory_space<vmem>>) semaphore(%arg11 : memref<!tpu.dma_semaphore, #tpu.memory_space<semaphore_mem>>)
        %dma_start3A_138 = arith.constant 0 : i32
        %dma_start3A_139 = arith.constant 0 : i32
        %dma_start3A_140 = arith.constant 0 : i32
        %dma_start3A_141 = arith.constant 0 : i32
        %dma_start3A_142 = tpu.memref_slice %arg9[%dma_start3A_139, %dma_start3A_140, %dma_start3A_141] : memref<2x1000x16xf32, #tpu.memory_space<vmem>> -> memref<1x1000x16xf32, #tpu.memory_space<vmem>>
        %dma_start3A_143 = tpu.memref_squeeze %dma_start3A_142 : memref<1x1000x16xf32, #tpu.memory_space<vmem>> -> memref<1000x16xf32, #tpu.memory_space<vmem>>
        %dma_start3A_144 = arith.constant 0 : i32
        %dma_start3A_145 = tpu.memref_slice %arg7[%dma_start3A_138, %dma_start3A_144] : memref<2x1000xi32, #tpu.memory_space<vmem>> -> memref<1x1000xi32, #tpu.memory_space<vmem>>
        %dma_start3A_146 = tpu.memref_squeeze %dma_start3A_145 : memref<1x1000xi32, #tpu.memory_space<vmem>> -> memref<1000xi32, #tpu.memory_space<vmem>>
        %dma_start3A_147 = arith.constant 0 : i32
        %dma_start3A_148 = arith.constant 0 : i32
        %dma_start3A_149 = tpu.memref_slice %arg2[%dma_start3A_147, %dma_start3A_148] : memref<100000x16xf32, #tpu.memory_space<hbm>> -> memref<100000x16xf32, #tpu.memory_space<hbm>>
        tpu.enqueue_indirect_dma source(%dma_start3A_149 : memref<100000x16xf32, #tpu.memory_space<hbm>>) target(%dma_start3A_143 : memref<1000x16xf32, #tpu.memory_space<vmem>>) offsets(%dma_start3A_146 : memref<1000xi32, #tpu.memory_space<vmem>>) semaphore(%arg11 : memref<!tpu.dma_semaphore, #tpu.memory_space<semaphore_mem>>)
      } else {
      }
      %dma_wait3A_88 = arith.constant 1 : i32
      %dma_wait3A_89 = arith.constant 1 : i32
      %dma_wait3A_90 = arith.constant 0 : i32
      %dma_wait3A_91 = arith.constant 0 : i32
      %dma_wait3A_92 = tpu.memref_slice %arg8[%dma_wait3A_89, %dma_wait3A_90, %dma_wait3A_91] : memref<2x1000x16xf32, #tpu.memory_space<vmem>> -> memref<1x1000x16xf32, #tpu.memory_space<vmem>>
      %dma_wait3A_93 = tpu.memref_squeeze %dma_wait3A_92 : memref<1x1000x16xf32, #tpu.memory_space<vmem>> -> memref<1000x16xf32, #tpu.memory_space<vmem>>
      %dma_wait3A_94 = arith.constant 0 : i32
      %dma_wait3A_95 = tpu.memref_slice %arg6[%dma_wait3A_88, %dma_wait3A_94] : memref<2x1000xi32, #tpu.memory_space<vmem>> -> memref<1x1000xi32, #tpu.memory_space<vmem>>
      %dma_wait3A_96 = tpu.memref_squeeze %dma_wait3A_95 : memref<1x1000xi32, #tpu.memory_space<vmem>> -> memref<1000xi32, #tpu.memory_space<vmem>>
      %dma_wait3A_97 = arith.constant 0 : i32
      %dma_wait3A_98 = arith.constant 0 : i32
      %dma_wait3A_99 = tpu.memref_slice %arg2[%dma_wait3A_97, %dma_wait3A_98] : memref<100000x16xf32, #tpu.memory_space<hbm>> -> memref<100000x16xf32, #tpu.memory_space<hbm>>
      tpu.wait_indirect_dma semaphore(%arg12 : memref<!tpu.dma_semaphore, #tpu.memory_space<semaphore_mem>>) src(%dma_wait3A_99 : memref<100000x16xf32, #tpu.memory_space<hbm>>) dst(%dma_wait3A_93 : memref<1000x16xf32, #tpu.memory_space<vmem>>)
      %dma_wait3A_100 = arith.constant 1 : i32
      %dma_wait3A_101 = arith.constant 1 : i32
      %dma_wait3A_102 = arith.constant 0 : i32
      %dma_wait3A_103 = arith.constant 0 : i32
      %dma_wait3A_104 = tpu.memref_slice %arg9[%dma_wait3A_101, %dma_wait3A_102, %dma_wait3A_103] : memref<2x1000x16xf32, #tpu.memory_space<vmem>> -> memref<1x1000x16xf32, #tpu.memory_space<vmem>>
      %dma_wait3A_105 = tpu.memref_squeeze %dma_wait3A_104 : memref<1x1000x16xf32, #tpu.memory_space<vmem>> -> memref<1000x16xf32, #tpu.memory_space<vmem>>
      %dma_wait3A_106 = arith.constant 0 : i32
      %dma_wait3A_107 = tpu.memref_slice %arg7[%dma_wait3A_100, %dma_wait3A_106] : memref<2x1000xi32, #tpu.memory_space<vmem>> -> memref<1x1000xi32, #tpu.memory_space<vmem>>
      %dma_wait3A_108 = tpu.memref_squeeze %dma_wait3A_107 : memref<1x1000xi32, #tpu.memory_space<vmem>> -> memref<1000xi32, #tpu.memory_space<vmem>>
      %dma_wait3A_109 = arith.constant 0 : i32
      %dma_wait3A_110 = arith.constant 0 : i32
      %dma_wait3A_111 = tpu.memref_slice %arg2[%dma_wait3A_109, %dma_wait3A_110] : memref<100000x16xf32, #tpu.memory_space<hbm>> -> memref<100000x16xf32, #tpu.memory_space<hbm>>
      tpu.wait_indirect_dma semaphore(%arg12 : memref<!tpu.dma_semaphore, #tpu.memory_space<semaphore_mem>>) src(%dma_wait3A_111 : memref<100000x16xf32, #tpu.memory_space<hbm>>) dst(%dma_wait3A_105 : memref<1000x16xf32, #tpu.memory_space<vmem>>)
      %scan3A_112 = arith.constant 0 : i32
      %scan3A_113 = arith.constant 1000 : i32
      %scan3A_114 = arith.addi %scan3A_112, %scan3A_113 : i32
      %scan3A_115 = arith.constant 8 : i32
      %scan3A_116 = scf.for %scan3A_118 = %scan3A_112 to %scan3A_114 step %scan3A_115 iter_args(%scan3A_119 = %scan3A_75) -> (vector<16xf32>)  : i32 {
        %get3A = arith.constant 1 : i32
        %get3A_120 = arith.index_cast %get3A : i32 to index
        %get3A_121 = arith.index_cast %scan3A_118 : i32 to index
        %get3A_122 = arith.constant 0 : index
        %get3A_123 = tpu.vector_load %arg8[%get3A_120, %get3A_121, %get3A_122] {strides = array<i32>} : memref<2x1000x16xf32, #tpu.memory_space<vmem>>, vector<1x1x16xf32>,
        %get3A_124 = vector.shape_cast %get3A_123 : vector<1x1x16xf32> to vector<16xf32>
        %get3A_125 = arith.constant 1 : i32
        %get3A_126 = arith.index_cast %get3A_125 : i32 to index
        %get3A_127 = arith.index_cast %scan3A_118 : i32 to index
        %get3A_128 = arith.constant 0 : index
        %get3A_129 = tpu.vector_load %arg9[%get3A_126, %get3A_127, %get3A_128] {strides = array<i32>} : memref<2x1000x16xf32, #tpu.memory_space<vmem>>, vector<1x1x16xf32>,
        %get3A_130 = vector.shape_cast %get3A_129 : vector<1x1x16xf32> to vector<16xf32>
        %sub3A = arith.subf %get3A_124, %get3A_130 : vector<16xf32>
        %mul3A_131 = arith.mulf %sub3A, %sub3A : vector<16xf32>
        %add3A_132 = arith.addf %scan3A_119, %mul3A_131 : vector<16xf32>
        %scan3A_133 = arith.constant 1 : i32
        %scan3A_134 = arith.addi %scan3A_118, %scan3A_133 : i32
        %get3A_135 = arith.constant 1 : i32
        %get3A_136 = arith.index_cast %get3A_135 : i32 to index
        %get3A_137 = arith.index_cast %scan3A_134 : i32 to index
        %get3A_138 = arith.constant 0 : index
        %get3A_139 = tpu.vector_load %arg8[%get3A_136, %get3A_137, %get3A_138] {strides = array<i32>} : memref<2x1000x16xf32, #tpu.memory_space<vmem>>, vector<1x1x16xf32>,
        %get3A_140 = vector.shape_cast %get3A_139 : vector<1x1x16xf32> to vector<16xf32>
        %get3A_141 = arith.constant 1 : i32
        %get3A_142 = arith.index_cast %get3A_141 : i32 to index
        %get3A_143 = arith.index_cast %scan3A_134 : i32 to index
        %get3A_144 = arith.constant 0 : index
        %get3A_145 = tpu.vector_load %arg9[%get3A_142, %get3A_143, %get3A_144] {strides = array<i32>} : memref<2x1000x16xf32, #tpu.memory_space<vmem>>, vector<1x1x16xf32>,
        %get3A_146 = vector.shape_cast %get3A_145 : vector<1x1x16xf32> to vector<16xf32>
        %sub3A_147 = arith.subf %get3A_140, %get3A_146 : vector<16xf32>
        %mul3A_148 = arith.mulf %sub3A_147, %sub3A_147 : vector<16xf32>
        %add3A_149 = arith.addf %add3A_132, %mul3A_148 : vector<16xf32>
        %scan3A_150 = arith.constant 2 : i32
        %scan3A_151 = arith.addi %scan3A_118, %scan3A_150 : i32
        %get3A_152 = arith.constant 1 : i32
        %get3A_153 = arith.index_cast %get3A_152 : i32 to index
        %get3A_154 = arith.index_cast %scan3A_151 : i32 to index
        %get3A_155 = arith.constant 0 : index
        %get3A_156 = tpu.vector_load %arg8[%get3A_153, %get3A_154, %get3A_155] {strides = array<i32>} : memref<2x1000x16xf32, #tpu.memory_space<vmem>>, vector<1x1x16xf32>,
        %get3A_157 = vector.shape_cast %get3A_156 : vector<1x1x16xf32> to vector<16xf32>
        %get3A_158 = arith.constant 1 : i32
        %get3A_159 = arith.index_cast %get3A_158 : i32 to index
        %get3A_160 = arith.index_cast %scan3A_151 : i32 to index
        %get3A_161 = arith.constant 0 : index
        %get3A_162 = tpu.vector_load %arg9[%get3A_159, %get3A_160, %get3A_161] {strides = array<i32>} : memref<2x1000x16xf32, #tpu.memory_space<vmem>>, vector<1x1x16xf32>,
        %get3A_163 = vector.shape_cast %get3A_162 : vector<1x1x16xf32> to vector<16xf32>
        %sub3A_164 = arith.subf %get3A_157, %get3A_163 : vector<16xf32>
        %mul3A_165 = arith.mulf %sub3A_164, %sub3A_164 : vector<16xf32>
        %add3A_166 = arith.addf %add3A_149, %mul3A_165 : vector<16xf32>
        %scan3A_167 = arith.constant 3 : i32
        %scan3A_168 = arith.addi %scan3A_118, %scan3A_167 : i32
        %get3A_169 = arith.constant 1 : i32
        %get3A_170 = arith.index_cast %get3A_169 : i32 to index
        %get3A_171 = arith.index_cast %scan3A_168 : i32 to index
        %get3A_172 = arith.constant 0 : index
        %get3A_173 = tpu.vector_load %arg8[%get3A_170, %get3A_171, %get3A_172] {strides = array<i32>} : memref<2x1000x16xf32, #tpu.memory_space<vmem>>, vector<1x1x16xf32>,
        %get3A_174 = vector.shape_cast %get3A_173 : vector<1x1x16xf32> to vector<16xf32>
        %get3A_175 = arith.constant 1 : i32
        %get3A_176 = arith.index_cast %get3A_175 : i32 to index
        %get3A_177 = arith.index_cast %scan3A_168 : i32 to index
        %get3A_178 = arith.constant 0 : index
        %get3A_179 = tpu.vector_load %arg9[%get3A_176, %get3A_177, %get3A_178] {strides = array<i32>} : memref<2x1000x16xf32, #tpu.memory_space<vmem>>, vector<1x1x16xf32>,
        %get3A_180 = vector.shape_cast %get3A_179 : vector<1x1x16xf32> to vector<16xf32>
        %sub3A_181 = arith.subf %get3A_174, %get3A_180 : vector<16xf32>
        %mul3A_182 = arith.mulf %sub3A_181, %sub3A_181 : vector<16xf32>
        %add3A_183 = arith.addf %add3A_166, %mul3A_182 : vector<16xf32>
        %scan3A_184 = arith.constant 4 : i32
        %scan3A_185 = arith.addi %scan3A_118, %scan3A_184 : i32
        %get3A_186 = arith.constant 1 : i32
        %get3A_187 = arith.index_cast %get3A_186 : i32 to index
        %get3A_188 = arith.index_cast %scan3A_185 : i32 to index
        %get3A_189 = arith.constant 0 : index
        %get3A_190 = tpu.vector_load %arg8[%get3A_187, %get3A_188, %get3A_189] {strides = array<i32>} : memref<2x1000x16xf32, #tpu.memory_space<vmem>>, vector<1x1x16xf32>,
        %get3A_191 = vector.shape_cast %get3A_190 : vector<1x1x16xf32> to vector<16xf32>
        %get3A_192 = arith.constant 1 : i32
        %get3A_193 = arith.index_cast %get3A_192 : i32 to index
        %get3A_194 = arith.index_cast %scan3A_185 : i32 to index
        %get3A_195 = arith.constant 0 : index
        %get3A_196 = tpu.vector_load %arg9[%get3A_193, %get3A_194, %get3A_195] {strides = array<i32>} : memref<2x1000x16xf32, #tpu.memory_space<vmem>>, vector<1x1x16xf32>,
        %get3A_197 = vector.shape_cast %get3A_196 : vector<1x1x16xf32> to vector<16xf32>
        %sub3A_198 = arith.subf %get3A_191, %get3A_197 : vector<16xf32>
        %mul3A_199 = arith.mulf %sub3A_198, %sub3A_198 : vector<16xf32>
        %add3A_200 = arith.addf %add3A_183, %mul3A_199 : vector<16xf32>
        %scan3A_201 = arith.constant 5 : i32
        %scan3A_202 = arith.addi %scan3A_118, %scan3A_201 : i32
        %get3A_203 = arith.constant 1 : i32
        %get3A_204 = arith.index_cast %get3A_203 : i32 to index
        %get3A_205 = arith.index_cast %scan3A_202 : i32 to index
        %get3A_206 = arith.constant 0 : index
        %get3A_207 = tpu.vector_load %arg8[%get3A_204, %get3A_205, %get3A_206] {strides = array<i32>} : memref<2x1000x16xf32, #tpu.memory_space<vmem>>, vector<1x1x16xf32>,
        %get3A_208 = vector.shape_cast %get3A_207 : vector<1x1x16xf32> to vector<16xf32>
        %get3A_209 = arith.constant 1 : i32
        %get3A_210 = arith.index_cast %get3A_209 : i32 to index
        %get3A_211 = arith.index_cast %scan3A_202 : i32 to index
        %get3A_212 = arith.constant 0 : index
        %get3A_213 = tpu.vector_load %arg9[%get3A_210, %get3A_211, %get3A_212] {strides = array<i32>} : memref<2x1000x16xf32, #tpu.memory_space<vmem>>, vector<1x1x16xf32>,
        %get3A_214 = vector.shape_cast %get3A_213 : vector<1x1x16xf32> to vector<16xf32>
        %sub3A_215 = arith.subf %get3A_208, %get3A_214 : vector<16xf32>
        %mul3A_216 = arith.mulf %sub3A_215, %sub3A_215 : vector<16xf32>
        %add3A_217 = arith.addf %add3A_200, %mul3A_216 : vector<16xf32>
        %scan3A_218 = arith.constant 6 : i32
        %scan3A_219 = arith.addi %scan3A_118, %scan3A_218 : i32
        %get3A_220 = arith.constant 1 : i32
        %get3A_221 = arith.index_cast %get3A_220 : i32 to index
        %get3A_222 = arith.index_cast %scan3A_219 : i32 to index
        %get3A_223 = arith.constant 0 : index
        %get3A_224 = tpu.vector_load %arg8[%get3A_221, %get3A_222, %get3A_223] {strides = array<i32>} : memref<2x1000x16xf32, #tpu.memory_space<vmem>>, vector<1x1x16xf32>,
        %get3A_225 = vector.shape_cast %get3A_224 : vector<1x1x16xf32> to vector<16xf32>
        %get3A_226 = arith.constant 1 : i32
        %get3A_227 = arith.index_cast %get3A_226 : i32 to index
        %get3A_228 = arith.index_cast %scan3A_219 : i32 to index
        %get3A_229 = arith.constant 0 : index
        %get3A_230 = tpu.vector_load %arg9[%get3A_227, %get3A_228, %get3A_229] {strides = array<i32>} : memref<2x1000x16xf32, #tpu.memory_space<vmem>>, vector<1x1x16xf32>,
        %get3A_231 = vector.shape_cast %get3A_230 : vector<1x1x16xf32> to vector<16xf32>
        %sub3A_232 = arith.subf %get3A_225, %get3A_231 : vector<16xf32>
        %mul3A_233 = arith.mulf %sub3A_232, %sub3A_232 : vector<16xf32>
        %add3A_234 = arith.addf %add3A_217, %mul3A_233 : vector<16xf32>
        %scan3A_235 = arith.constant 7 : i32
        %scan3A_236 = arith.addi %scan3A_118, %scan3A_235 : i32
        %get3A_237 = arith.constant 1 : i32
        %get3A_238 = arith.index_cast %get3A_237 : i32 to index
        %get3A_239 = arith.index_cast %scan3A_236 : i32 to index
        %get3A_240 = arith.constant 0 : index
        %get3A_241 = tpu.vector_load %arg8[%get3A_238, %get3A_239, %get3A_240] {strides = array<i32>} : memref<2x1000x16xf32, #tpu.memory_space<vmem>>, vector<1x1x16xf32>,
        %get3A_242 = vector.shape_cast %get3A_241 : vector<1x1x16xf32> to vector<16xf32>
        %get3A_243 = arith.constant 1 : i32
        %get3A_244 = arith.index_cast %get3A_243 : i32 to index
        %get3A_245 = arith.index_cast %scan3A_236 : i32 to index
        %get3A_246 = arith.constant 0 : index
        %get3A_247 = tpu.vector_load %arg9[%get3A_244, %get3A_245, %get3A_246] {strides = array<i32>} : memref<2x1000x16xf32, #tpu.memory_space<vmem>>, vector<1x1x16xf32>,
        %get3A_248 = vector.shape_cast %get3A_247 : vector<1x1x16xf32> to vector<16xf32>
        %sub3A_249 = arith.subf %get3A_242, %get3A_248 : vector<16xf32>
        %mul3A_250 = arith.mulf %sub3A_249, %sub3A_249 : vector<16xf32>
        %add3A_251 = arith.addf %add3A_234, %mul3A_250 : vector<16xf32>
        scf.yield %add3A_251 : vector<16xf32>
      }
      %scan3A_117 = arith.constant 1000 : i32
      scf.yield %scan3A_116 : vector<16xf32>
    }
    %scan3A_34 = arith.constant 50 : i32
    %swap3A = arith.constant 0 : index
    %swap3A_35 = tpu.vector_load %arg10[%swap3A] {strides = array<i32>} : memref<16xf32, #tpu.memory_space<vmem>>, vector<16xf32>,
    %swap3A_36 = vector.shape_cast %swap3A_35 : vector<16xf32> to vector<16xf32>
    %swap3A_37 = vector.shape_cast %scan3A_33 : vector<16xf32> to vector<16xf32>
    tpu.vector_store %arg10[%swap3A], %swap3A_37 {strides = array<i32>} : memref<16xf32, #tpu.memory_space<vmem>>, vector<16xf32>,
    "tpu.region"() ({
      %run_scoped3A_38 = tpu.sem_alloc : memref<!tpu.dma_semaphore, #tpu.memory_space<semaphore_mem>>
      %dma_start3A_39 = arith.constant 0 : i32
      %dma_start3A_40 = tpu.memref_slice %arg5[%add3A, %dma_start3A_39] : memref<32x16xf32, #tpu.memory_space<hbm>> -> memref<1x16xf32, #tpu.memory_space<hbm>>
      %dma_start3A_41 = tpu.memref_squeeze %dma_start3A_40 : memref<1x16xf32, #tpu.memory_space<hbm>> -> memref<16xf32, #tpu.memory_space<hbm>>
      %dma_start3A_42 = arith.constant 0 : i32
      %dma_start3A_43 = tpu.memref_slice %arg5[%add3A, %dma_start3A_42] : memref<32x16xf32, #tpu.memory_space<hbm>> -> memref<1x16xf32, #tpu.memory_space<hbm>>
      %dma_start3A_44 = tpu.memref_squeeze %dma_start3A_43 : memref<1x16xf32, #tpu.memory_space<hbm>> -> memref<16xf32, #tpu.memory_space<hbm>>
      tpu.enqueue_dma source(%arg10 : memref<16xf32, #tpu.memory_space<vmem>>) target(%dma_start3A_44 : memref<16xf32, #tpu.memory_space<hbm>>) target_semaphore(%run_scoped3A_38 : memref<!tpu.dma_semaphore, #tpu.memory_space<semaphore_mem>>)
      %dma_wait3A = arith.constant 0 : i32
      %dma_wait3A_45 = tpu.memref_slice %arg5[%add3A, %dma_wait3A] : memref<32x16xf32, #tpu.memory_space<hbm>> -> memref<1x16xf32, #tpu.memory_space<hbm>>
      %dma_wait3A_46 = tpu.memref_squeeze %dma_wait3A_45 : memref<1x16xf32, #tpu.memory_space<hbm>> -> memref<16xf32, #tpu.memory_space<hbm>>
      %dma_wait3A_47 = arith.constant 0 : i32
      %dma_wait3A_48 = tpu.memref_slice %arg5[%add3A, %dma_wait3A_47] : memref<32x16xf32, #tpu.memory_space<hbm>> -> memref<1x16xf32, #tpu.memory_space<hbm>>
      %dma_wait3A_49 = tpu.memref_squeeze %dma_wait3A_48 : memref<1x16xf32, #tpu.memory_space<hbm>> -> memref<16xf32, #tpu.memory_space<hbm>>
      tpu.wait_dma2 semaphore(%run_scoped3A_38 : memref<!tpu.dma_semaphore, #tpu.memory_space<semaphore_mem>>) src(%arg10 : memref<16xf32, #tpu.memory_space<vmem>>) dst(%dma_wait3A_49 : memref<16xf32, #tpu.memory_space<hbm>>)
      tpu.yield
    }) : () -> ()
    return
  }
}

</mosaic_0001>

<sc_bundles>
// kernel: kernel.3.cloned.1.call-start
scs
__scs_entry_jumppad:
0x0: {  	(pc) =	sbr.rel $0x88, $3  }
0x1: {  	(tag) =	ssettag $0x0;
	lr =	simm.s32 $0x1  }
0x2: {  	[smem:$0x3F9F] =	sst lr;
	_ =	strace $0xD0000000  }
0x3: {  	_ = 	snop  }
0x4: {  	_ = 	snop  }
0x5: {  	_ = 	snop  }
0x6: {  	_ = 	snop  }
0x7: {  	_ = 	snop  }
__scs_overlays_trampoline_lowered:
0x8: {  	[smem:$0x3FAE] =	sst s0  }
0x9: {  	[smem:$0x3FAF] =	sst s1  }
0xa: {  	[smem:$0x3FB0] =	sst s2  }
0xb: {  	[smem:$0x3FB1] =	sst s3  }
0xc: {  	[smem:$0x3FB2] =	sst s4  }
0xd: {  	[smem:$0x3FB3] =	sst s5  }
0xe: {  	[smem:$0x3FB4] =	sst s6  }
0xf: {  	[smem:$0x3FB5] =	sst s7  }
0x10: {  	[smem:$0x3FB6] =	sst s8  }
0x11: {  	[smem:$0x3FB7] =	sst s9;
	s0 =	simm.s32 @!p0 $0x0  }
0x12: {  	s1 =	sld [smem:$0x3F9D];
	s0 =	simm.s32 @p0 $0x1  }
0x13: {  	[smem:$0x3FB8] =	sst s0;
	s0 =	simm.s32 @!p1 $0x0  }
0x14: {  	s2 =	sld [smem:$0x3F9C];
	s0 =	simm.s32 @p1 $0x1  }
0x15: {  	[smem:$0x3FB9] =	sst s0;
	s0 =	simm.s32 @!p2 $0x0  }
0x16: {  	s3 =	sld [smem:$0x3FDB];
	s0 =	simm.s32 @p2 $0x1  }
0x17: {  	s4 =	simm.s32 $0x1BF5;
	[smem:$0x3FBB] =	sst s0  }
0x18: {  	s0 =	sld [smem:$0x3F9E];
	_ =	swait.ge [sflag:s4], $0x0  }
0x19: {  	s7 =	sld [smem:$0x3F9F]  }
0x1a: {  	s8 =	sadd.s32 $0xFFFFE003, lr  }
0x1b: {  	s9 =	sadd.s32 $0xFFFFFEF7, lr;
	s5 =	simm.s32 $0xFFFFFFFF;
	p2 =	slt.u32 s8, $0xFFFFF086  }
0x1c: {  	p1 =	slt.u32 s9, $0xF7A;
	s5 =	simm.s32 @!p2 $0x0  }
0x1d: {  	s5 =	simm.s32 @p1 $0x1;
	p0 =	seq.s32 s7, s2  }
0x1e: {  	s7 =	smul.u32 @!p0 $0xF7A, s2;
	p2 =	seq.s32 @!p0 s5, $0x0  }
0x1f: {  	s9 =	smul.u32 $0xF7A, s1;
	s8 =	simm.s32 @!p0 $0x1BF5;
	p2 =	por !p2, p0  }
0x20: {  	[sflag:s8] =	ssyncset.s32 @!p0 $0xFFFFF086;
	s6 =	sadd.s32 @!p0 s3, s7;
	s7 =	simm.s32 @!p0 $0x108  }
0x21: {  	s3 =	sadd.s32 s3, s9;
	s6 =	sadd.s32 @!p0 $0x88, s6;
	s7 =	simm.s32 @p2 $0x1082  }
0x22: {  	[simem:s7], [sflag:s8] =	dma.local @!p0 [hbm:s6], $0xF7A  }
0x23: {  	s9 =	sor.u32 $0xD0000000, s2;
	s6 =	simm.s32 $0x108;
	_ =	swait.ge @!p0 [sflag:s8], $0x0  }
0x24: {  	s3 =	sadd.s32 $0x88, s3;
	s6 =	simm.s32 @!p1 $0x1082;
	[sflag:s4] =	ssyncset.s32 $0xFFFFF086  }
0x25: {  	[simem:s6], [sflag:s4] =	dma.local [hbm:s3], $0xF7A  }
0x26: {  	[smem:$0x3F9F] =	sst s1;
	(tag) =	ssettag s2;
	_ =	strace s9  }
0x27: {  	s1 =	sld [smem:$0x3FAF]  }
0x28: {  	s2 =	sld [smem:$0x3FB0]  }
0x29: {  	s4 =	sld [smem:$0x3FB2]  }
0x2a: {  	p0 =	seq.s32 s5, $0x0;
	s5 =	sld [smem:$0x3FB3]  }
0x2b: {  	s6 =	sld [smem:$0x3FB4]  }
0x2c: {  	s7 =	sld [smem:$0x3FB5]  }
0x2d: {  	s3 =	simm.s32 $0x108;
	s8 =	sld [smem:$0x3FB6]  }
0x2e: {  	s3 =	simm.s32 @!p0 $0x1082;
	s9 =	sld [smem:$0x3FB7]  }
0x2f: {  	lr =	sadd.s32 s0, s3;
	s0 =	sld [smem:$0x3FAE]  }
0x30: {  	s3 =	sld [smem:$0x3FB1]  }
0x31: {  	[smem:$0x3FBA] =	sst s10  }
0x32: {  	s10 =	sld [smem:$0x3FB8];
	_ =	sdelay $0x3  }
0x33: {  	p0 =	seq.s32 s10, $0x1;
	s10 =	sld [smem:$0x3FBA];
	_ =	sdelay $0x3  }
0x34: {  	[smem:$0x3FBA] =	sst s10  }
0x35: {  	s10 =	sld [smem:$0x3FB9];
	_ =	sdelay $0x3  }
0x36: {  	p1 =	seq.s32 s10, $0x1;
	s10 =	sld [smem:$0x3FBA];
	_ =	sdelay $0x3  }
0x37: {  	[smem:$0x3FBA] =	sst s10  }
0x38: {  	s10 =	sld [smem:$0x3FBB]  }
0x39: {  	_ = 	snop;
	(pc) =	sbr.ind lr, $3  }
0x3a: {  	_ = 	snop  }
0x3b: {  	_ = 	snop  }
0x3c: {  	p2 =	seq.s32 s10, $0x1;
	s10 =	sld [smem:$0x3FBA]  }
0x3d: {  	_ =	shalt  }
0x3e: {  	_ =	shalt  }
0x3f: {  	_ =	shalt  }
0x40: {  	_ =	shalt  }
0x41: {  	_ =	shalt  }
0x42: {  	_ =	shalt  }
0x43: {  	_ =	shalt  }
0x44: {  	_ =	shalt  }
0x45: {  	_ =	shalt  }
0x46: {  	_ =	shalt  }
0x47: {  	_ =	shalt  }
0x48: {  	_ =	shalt  }
0x49: {  	_ =	shalt  }
0x4a: {  	_ =	shalt  }
0x4b: {  	_ =	shalt  }
0x4c: {  	_ =	shalt  }
0x4d: {  	_ =	shalt  }
0x4e: {  	_ =	shalt  }
0x4f: {  	_ =	shalt  }
0x50: {  	_ =	shalt  }
0x51: {  	_ =	shalt  }
0x52: {  	_ =	shalt  }
0x53: {  	_ =	shalt  }
0x54: {  	_ =	shalt  }
0x55: {  	_ =	shalt  }
0x56: {  	_ =	shalt  }
0x57: {  	_ =	shalt  }
0x58: {  	_ =	shalt  }
0x59: {  	_ =	shalt  }
0x5a: {  	_ =	shalt  }
0x5b: {  	_ =	shalt  }
0x5c: {  	_ =	shalt  }
0x5d: {  	_ =	shalt  }
0x5e: {  	_ =	shalt  }
0x5f: {  	_ =	shalt  }
0x60: {  	_ =	shalt  }
0x61: {  	_ =	shalt  }
0x62: {  	_ =	shalt  }
0x63: {  	_ =	shalt  }
0x64: {  	_ =	shalt  }
0x65: {  	_ =	shalt  }
0x66: {  	_ =	shalt  }
0x67: {  	_ =	shalt  }
0x68: {  	_ =	shalt  }
0x69: {  	_ =	shalt  }
0x6a: {  	_ =	shalt  }
0x6b: {  	_ =	shalt  }
0x6c: {  	_ =	shalt  }
0x6d: {  	_ =	shalt  }
0x6e: {  	_ =	shalt  }
0x6f: {  	_ =	shalt  }
0x70: {  	_ =	shalt  }
0x71: {  	_ =	shalt  }
0x72: {  	_ =	shalt  }
0x73: {  	_ =	shalt  }
0x74: {  	_ =	shalt  }
0x75: {  	_ =	shalt  }
0x76: {  	_ =	shalt  }
0x77: {  	_ =	shalt  }
0x78: {  	_ =	shalt  }
0x79: {  	_ =	shalt  }
0x7a: {  	_ =	shalt  }
0x7b: {  	_ =	shalt  }
0x7c: {  	_ =	shalt  }
0x7d: {  	_ =	shalt  }
0x7e: {  	_ =	shalt  }
0x7f: {  	_ =	shalt  }
0x80: {  	_ =	shalt  }
0x81: {  	_ =	shalt  }
0x82: {  	_ =	shalt  }
0x83: {  	_ =	shalt  }
0x84: {  	_ =	shalt  }
0x85: {  	_ =	shalt  }
0x86: {  	_ =	shalt  }
0x87: {  	_ =	shalt  }
.Lfunc_end0:
.L_simem_size_0:
called_computation_lowered:
.L_overlay_start_0:
0x88: {  	s2 =	sld [smem:$0x3FD9]  }
0x89: {  	s3 =	sld [smem:$0x3FFE];
	_ =	sdelay $0x1  }
0x8a: {  	s1 =	srdreg.scid  }
0x8b: {  	s0 =	sand.u32 $0x1, s1  }
0x8c: {  	s16 =	sshll.u32 s0, $0xA;
	s2 =	sadd.s32 s3, s2  }
0x8d: {  	s2 =	sadd.s32 s2, s16  }
0x8e: {  	[smem:$0x3FC6] =	sst s2  }
0x8f: {  	_ = 	snop  }
0x90: {  	(tm) =	ssettm $0x1  }
0x91: {  	s17 =	sld [smem:$0x3FFB];
	_ =	sdelay $0x3  }
0x92: {  	_ =	strace s17  }
0x93: {  	s2 =	sld [smem:$0x3FFC];
	_ =	sdelay $0x3  }
0x94: {  	_ =	strace s2  }
0x95: {  	s2 =	sld [smem:$0x3FFD];
	_ =	sdelay $0x3  }
0x96: {  	_ =	strace s2  }
0x97: {  	_ =	strace $0x8FFFFFFF  }
0x98: {  	s18 =	sld [smem:$0x3FDB];
	_ =	sdelay $0x1  }
0x99: {  	s19 =	simm.s32 $_scs_section_size  }
0x9a: {  	s4 =	simm.s32 $_size__tile_overlayer_lowered;
	s5 =	simm.s32 $_tile_overlayer_lowered  }
0x9b: {  	s22 =	simm.s32 $0x1BFF;
	s21 =	sshll.u32 s5, $0x1;
	s2 =	sadd.s32 s19, s18  }
0x9c: {  	s6 =	simm.s32 $0x0;
	s20 =	sshll.u32 s4, $0x1;
	s4 =	sadd.s32 s21, s2  }
0x9d: {  	[timem:s6], [sflag:s22] =	dma.local [hbm:s4], s20  }
0x9e: {  	_ =	swait.ge [sflag:s22], s20  }
0x9f: {  	s3 =	ssub.s32 $0x0, s20;
	[sflag:s22] =	ssyncset.done $0x0  }
0xa0: {  	[sflag:s22] =	ssyncadd.s32 s3;
	_ =	sdelay $0x1  }
0xa1: {  	s23 =	simm.s32 $0x1B8B  }
0xa2: {  	_ =	swait.ge [sflag:s23], $0x1  }
0xa3: {  	[sflag:s23] =	ssyncset.done $0x0  }
0xa4: {  	s25 =	simm.s32 $0x1B8E;
	s24 =	sld [smem:$0x3FFE];
	[sflag:s23] =	ssyncadd.s32 $0xFFFFFFFF  }
0xa5: {  	s26 =	simm.s32 $execute0_lowered;
	[smem:$0x3FD2] =	sst s25  }
0xa6: {  	s4 =	sshll.u32 s26, $0x1;
	_ =	strace $0x80000046;
	[dreg:$0x1] =	wrdreg $0xFFFFFFFF  }
0xa7: {  	s28 =	simm.s32 $_size_execute0_lowered;
	s2 =	sadd.s32 s2, s4;
	[dreg:$0x0] =	wrdreg $0x0  }
0xa8: {  	s4 =	sshll.u32 s28, $0x1;
	[dreg:$0x2] =	wrdreg s2  }
0xa9: {  	[dreg:$0x3] =	wrdreg s4  }
0xaa: {  	[dreg:$0x4] =	wrdreg $0xC0  }
0xab: {  	_ =	task [dreg:s6], $0x5FFFF  }
0xac: {  	[dreg:$0x1] =	wrdreg $0xFFFFFFFF  }
0xad: {  	[dreg:$0x0] =	wrdreg $0x60  }
0xae: {  	[dreg:$0x2] =	wrdreg s24  }
0xaf: {  	[dreg:$0x3] =	wrdreg $0x9  }
0xb0: {  	_ =	task.clear_ibuf [dreg:s6], $0x4FFFF;
	_ =	strace $0x90000046  }
0xb1: {  	s29 =	simm.s32 $0x9;
	_ =	strace $0x80000048  }
0xb2: {  	_ =	swait.ge [sflag:s29], $0x1  }
0xb3: {  	[sflag:s29] =	ssyncadd.s32 $0xFFFFFFFF  }
0xb4: {  	_ =	strace $0x90000048  }
0xb5: {  	_ =	sfence  }
0xb6: {  	s30 =	sld [smem:$0x0];
	_ =	sdelay $0x2  }
0xb7: {  	s31 =	sshll.u32 s1, $0xD;
	s1 =	sshrl.u32 s1, $0x2  }
0xb8: {  	s3 =	sand.u32 $0x4000, s31;
	s1 =	sadd.s32 s1, s30  }
0xb9: {  	s0 =	sor.u32 s3, s0;
	s1 =	sshll.u32 s1, $0x11  }
0xba: {  	s0 =	sor.u32 s1, s0  }
0xbb: {  	s0 =	sadd.s32 $0x8F2B, s0  }
0xbc: {  	[sflag:s0] =	ssyncadd.remote.s32 $0x1  }
0xbd: {  	_ =	sfence.sel $0xFFFF  }
0xbe: {  	[dreg:$0x0] =	wrdreg $0xFFFFFFFF;
	(pc) =	sbr.abs _section_cstart, $3  }
0xbf: {  	[dreg:$0x1] =	wrdreg $0xFFFFFFFF  }
0xc0: {  	_ =	task.clear_ibuf [dreg:s6], $0x2FFFF;
	_ =	strace $0x9FFFFFFF  }
0xc1: {  	(tm) =	ssettm $0x7FFFFFFF  }
tec
execute0_lowered:
.L_overlay_start_1:
0x0: {  	(tag) =	ssettag $0x1  }
0x1: {  	s6 =	rddreg [dreg:$0x0]  }
0x2: {  	s0 =	rddreg [dreg:$0x1]  }
0x3: {  	s2 =	simm.s32 $0x0;
	s3 =	srdreg.scid;
	s1 =	stileid.u32  }
0x4: {  	s13 =	simm.s32 $0x7D0;
	s14 =	simm.s32 $0x3E8;
	s15 =	simm.s32 $0xFA0  }
0x5: {  	s16 =	simm.s32 $0x8CA0;
	s17 =	simm.s32 $0xBB8;
	s18 =	simm.s32 $0x4E20  }
0x6: {  	s19 =	simm.s32 $0xCB20;
	s20 =	simm.s32 $0x1;
	s21 =	simm.s32 $0x2  }
0x7: {  	s22 =	simm.s32 $0x109A0;
	s23 =	simm.s32 $0x0;
	[smem:$0x7FF] =	sst s2  }
0x8: {  	s5 =	sand.u32 $0x1, s3;
	s4 =	sshll.u32 s1, $0x1;
	s3 =	sadd.s32 $0x188800, s6  }
0x9: {  	_ =	strace $0x80000047;
	s7 =	sor.u32 s5, s4;
	s4 =	sadd.s32 $0x63A00, s6  }
0xa: {  	s8 =	ssub.s32 $0x2, s5;
	s9 =	smul.u32 $0x186A0, s7;
	s7 =	sshll.u32 s7, $0x1  }
0xb: {  	s5 =	sadd.s32 $0x1E00, s6;
	s10 =	sshrl.u32 s8, $0x1;
	s11 =	sadd.s32 s7, s6  }
0xc: {  	s12 =	ssub.s32 s8, s10;
	s31 =	sshrl.u32 s9, $0x3;
	s8 =	sadd.s32 $0x3E8, s9  }
0xd: {  	s9 =	sadd.s32 $0x7D0, s9;
	s10 =	sadd.s32 $0xC5600, s11;
	s11 =	smax.u32 s12, $0x1  }
0xe: {  	s12 =	simm.s32 $0x3;
	s6 =	sadd.s32 s4, s31;
	s7 =	sadd.s32 s5, s31  }
.LBB2_1:
0xf: {  	[tilespmem:s2], [sflag:$0x3] =	stream.linear.gather [hbm4b:s6+s2], $0x3E8, $0x38;
	[tilespmem:$0x109B0] =	vst v63  }
0x10: {  	_ =	swait.ge [sflag:s12], $0x3E8  }
0x11: {  	[sflag:s12] =	ssyncset.done $0x0  }
0x12: {  	[sflag:s12] =	ssyncadd.s32 $0xFFFFFC18  }
0x13: {  	[tilespmem:s13], [sflag:$0x3] =	stream.linear.gather [hbm4b:s7+s2], $0x3E8, $0x38;
	[tilespmem:$0x109B0] =	vst v63  }
0x14: {  	_ =	swait.ge [sflag:s12], $0x3E8  }
0x15: {  	[sflag:s12] =	ssyncset.done $0x0  }
0x16: {  	[sflag:s12] =	ssyncadd.s32 $0xFFFFFC18  }
0x17: {  	[tilespmem:s15], [sflag:$0x1] =	stream.indirect.gather [hbm4b:s3+s14], $0x10, s2, s14, $0xb8;
	[tilespmem:$0x109B0] =	vst v63  }
0x18: {  	s24 =	simm.s32 $0x0  }
0x19: {  	v0 =	vimm.f32 $0.0e+00;
	[tilespmem:s16], [sflag:$0x1] =	stream.indirect.gather [hbm4b:s3+s14], $0x10, s13, s14, $0xb8;
	[tilespmem:$0x109B0] =	vst v63  }
.LBB2_2:
0x1a: {  	s25 =	smul.u32 $0x7D0, s24;
	_ =	sdelay $0x1  }
0x1b: {  	s26 =	sadd.s32 s25, s8  }
0x1c: {  	s26 =	sshrl.u32 s26, $0x3  }
0x1d: {  	s28 =	sadd.s32 s4, s26  }
0x1e: {  	[tilespmem:s14], [sflag:$0x3] =	stream.linear.gather [hbm4b:s28+s2], $0x3E8, $0x38;
	[tilespmem:$0x109B0] =	vst v63  }
0x1f: {  	_ =	swait.ge [sflag:s12], $0x3E8  }
0x20: {  	[sflag:s12] =	ssyncset.done $0x0  }
0x21: {  	s26 =	sadd.s32 s5, s26;
	[sflag:s12] =	ssyncadd.s32 $0xFFFFFC18  }
0x22: {  	[tilespmem:s17], [sflag:$0x3] =	stream.linear.gather [hbm4b:s26+s2], $0x3E8, $0x38;
	[tilespmem:$0x109B0] =	vst v63  }
0x23: {  	_ =	swait.ge [sflag:s12], $0x3E8  }
0x24: {  	[sflag:s12] =	ssyncset.done $0x0  }
0x25: {  	[sflag:s12] =	ssyncadd.s32 $0xFFFFFC18  }
0x26: {  	[tilespmem:s18], [sflag:$0x2] =	stream.indirect.gather [hbm4b:s3+s14], $0x10, s14, s14, $0xb8;
	[tilespmem:$0x109B0] =	vst v63  }
0x27: {  	_ = 	snop  }
0x28: {  	[tilespmem:s19], [sflag:$0x2] =	stream.indirect.gather [hbm4b:s3+s14], $0x10, s17, s14, $0xb8;
	[tilespmem:$0x109B0] =	vst v63  }
0x29: {  	_ =	swait.ge [sflag:s20], $0x3E80  }
0x2a: {  	[sflag:s20] =	ssyncset.done $0x0  }
0x2b: {  	[sflag:s20] =	ssyncadd.s32 $0xFFFFC180  }
0x2c: {  	_ =	swait.ge [sflag:s20], $0x3E80  }
0x2d: {  	[sflag:s20] =	ssyncset.done $0x0  }
0x2e: {  	s28 =	simm.s32 $0xFE0;
	[sflag:s20] =	ssyncadd.s32 $0xFFFFC180  }
0x2f: {  	s26 =	simm.s32 $0x8CE0;
	v1 =	vld [tilespmem:s28+$0xFFFFFFC0]  }
0x30: {  	v2 =	vld [tilespmem:s26+$0xFFFFFFC0]  }
0x31: {  	v3 =	vld [tilespmem:s28+$0xFFFFFFD0]  }
0x32: {  	v4 =	vld [tilespmem:s26+$0xFFFFFFD0]  }
0x33: {  	v5 =	vld [tilespmem:s28+$0xFFFFFFE0]  }
0x34: {  	v6 =	vld [tilespmem:s26+$0xFFFFFFE0]  }
0x35: {  	v7 =	vld [tilespmem:s28+$0xFFFFFFF0];
	v1 =	vsub.f32 v1, v2  }
0x36: {  	v8 =	vld [tilespmem:s26+$0xFFFFFFF0]  }
0x37: {  	v9 =	vld [tilespmem:s28+$0x0];
	v3 =	vsub.f32 v3, v4;
	v1 =	vmul.f32 v1, v1  }
0x38: {  	v4 =	vld [tilespmem:s26+$0x0]  }
0x39: {  	v2 =	vld [tilespmem:s28+$0x10];
	v6 =	vsub.f32 v5, v6;
	v3 =	vmul.f32 v3, v3;
	v1 =	vadd.f32 v1, v0  }
0x3a: {  	v5 =	vld [tilespmem:s26+$0x10]  }
0x3b: {  	v7 =	vsub.f32 v7, v8;
	v6 =	vmul.f32 v6, v6;
	v0 =	vld [tilespmem:s28+$0x20];
	v10 =	vadd.f32 v3, v1  }
0x3c: {  	v3 =	vld [tilespmem:s26+$0x20]  }
0x3d: {  	v7 =	vmul.f32 v7, v7;
	v8 =	vsub.f32 v9, v4;
	v4 =	vld [tilespmem:s26+$0x30];
	v6 =	vadd.f32 v6, v10  }
0x3e: {  	s29 =	simm.s32 $0x1060;
	v1 =	vld [tilespmem:s28+$0x30];
	s28 =	simm.s32 $0x0  }
.LBB2_3:
0x3f: {  	v9 =	vld [tilespmem:s29+$0xFFFFFFC0];
	v6 =	vadd.f32 v7, v6;
	v7 =	vmul.f32 v8, v8;
	v2 =	vsub.f32 v2, v5;
	s26 =	sadd.s32 $0x80, s26  }
0x40: {  	s28 =	sadd.s32 $0x8, s28;
	v5 =	vld [tilespmem:s26+$0xFFFFFFC0]  }
0x41: {  	p0 =	slt.u32 s28, $0x3E0;
	v8 =	vld [tilespmem:s29+$0xFFFFFFD0];
	v6 =	vadd.f32 v7, v6;
	v2 =	vmul.f32 v2, v2;
	v0 =	vsub.f32 v0, v3  }
0x42: {  	v3 =	vld [tilespmem:s26+$0xFFFFFFD0]  }
0x43: {  	v7 =	vld [tilespmem:s29+$0xFFFFFFE0];
	v2 =	vadd.f32 v2, v6;
	v0 =	vmul.f32 v0, v0;
	v1 =	vsub.f32 v1, v4  }
0x44: {  	v4 =	vld [tilespmem:s26+$0xFFFFFFE0]  }
0x45: {  	v5 =	vsub.f32 v9, v5;
	v6 =	vld [tilespmem:s29+$0xFFFFFFF0];
	v0 =	vadd.f32 v0, v2;
	v1 =	vmul.f32 v1, v1  }
0x46: {  	v9 =	vld [tilespmem:s26+$0xFFFFFFF0]  }
0x47: {  	v2 =	vmul.f32 v5, v5;
	v3 =	vsub.f32 v8, v3;
	v8 =	vld [tilespmem:s29+$0x0];
	v0 =	vadd.f32 v1, v0  }
0x48: {  	v1 =	vld [tilespmem:s26+$0x0]  }
0x49: {  	v0 =	vadd.f32 v2, v0;
	v3 =	vmul.f32 v3, v3;
	v4 =	vsub.f32 v7, v4;
	v2 =	vld [tilespmem:s29+$0x10]  }
.Ltmp0:
0x4a: {  	v5 =	vld [tilespmem:s26+$0x10];
	(pc) =	sbr.rel @p0 .LBB2_3-.Ltmp0, $4  }
0x4b: {  	v7 =	vadd.f32 v3, v0;
	v4 =	vmul.f32 v4, v4;
	v9 =	vsub.f32 v6, v9;
	v0 =	vld [tilespmem:s29+$0x20]  }
0x4c: {  	v3 =	vld [tilespmem:s26+$0x20]  }
0x4d: {  	v6 =	vadd.f32 v4, v7;
	v7 =	vmul.f32 v9, v9;
	v8 =	vsub.f32 v8, v1;
	v1 =	vld [tilespmem:s29+$0x30]  }
0x4e: {  	s29 =	sadd.s32 $0x80, s29;
	v4 =	vld [tilespmem:s26+$0x30]  }
0x4f: {  	p0 =	seq.s32 s24, $0x31  }
0x50: {  	s25 =	sadd.s32 @!p0 s25, s9  }
0x51: {  	s25 =	sshrl.u32 @!p0 s25, $0x3  }
0x52: {  	s28 =	simm.s32 @!p0 $0x0;
	s26 =	sadd.s32 @!p0 s4, s25  }
0x53: {  	[tilespmem:s28], [sflag:$0x3] =	stream.linear.gather @!p0 [hbm4b:s26+s28], $0x3E8, $0x38;
	[tilespmem:$0x109B0] =	vst v63  }
0x54: {  	s26 =	simm.s32 @!p0 $0x3  }
0x55: {  	_ =	swait.ge @!p0 [sflag:s26], $0x3E8  }
0x56: {  	[sflag:s26] =	ssyncset.done @!p0 $0x0  }
0x57: {  	s29 =	simm.s32 @!p0 $0x7D0;
	s25 =	sadd.s32 @!p0 s5, s25;
	[sflag:s26] =	ssyncadd.s32 @!p0 $0xFFFFFC18  }
0x58: {  	[tilespmem:s29], [sflag:$0x3] =	stream.linear.gather @!p0 [hbm4b:s25+s28], $0x3E8, $0x38;
	[tilespmem:$0x109B0] =	vst v63  }
0x59: {  	_ =	swait.ge @!p0 [sflag:s26], $0x3E8  }
0x5a: {  	[sflag:s26] =	ssyncset.done @!p0 $0x0  }
0x5b: {  	s25 =	simm.s32 @!p0 $0x3E8;
	[sflag:s26] =	ssyncadd.s32 @!p0 $0xFFFFFC18;
	s26 =	simm.s32 @!p0 $0xFA0  }
0x5c: {  	[tilespmem:s26], [sflag:$0x1] =	stream.indirect.gather @!p0 [hbm4b:s3+s25], $0x10, s28, s25, $0xb8;
	[tilespmem:$0x109B0] =	vst v63  }
0x5d: {  	s26 =	simm.s32 @!p0 $0x8CA0  }
0x5e: {  	[tilespmem:s26], [sflag:$0x1] =	stream.indirect.gather @!p0 [hbm4b:s3+s25], $0x10, s29, s25, $0xb8;
	[tilespmem:$0x109B0] =	vst v63  }
0x5f: {  	_ =	swait.ge [sflag:s21], $0x3E80  }
0x60: {  	[sflag:s21] =	ssyncset.done $0x0  }
0x61: {  	[sflag:s21] =	ssyncadd.s32 $0xFFFFC180  }
0x62: {  	_ =	swait.ge [sflag:s21], $0x3E80  }
0x63: {  	[sflag:s21] =	ssyncset.done $0x0  }
0x64: {  	s31 =	simm.s32 $0x4E90;
	[sflag:s21] =	ssyncadd.s32 $0xFFFFC180  }
0x65: {  	v6 =	vadd.f32 v7, v6;
	v7 =	vmul.f32 v8, v8;
	v2 =	vsub.f32 v2, v5;
	s25 =	simm.s32 $0xCB90;
	v9 =	vld [tilespmem:s31+$0xFFFFFF90]  }
0x66: {  	v5 =	vld [tilespmem:s25+$0xFFFFFF90]  }
0x67: {  	v6 =	vadd.f32 v7, v6;
	v2 =	vmul.f32 v2, v2;
	v0 =	vsub.f32 v0, v3;
	v8 =	vld [tilespmem:s31+$0xFFFFFFA0]  }
0x68: {  	v3 =	vld [tilespmem:s25+$0xFFFFFFA0]  }
0x69: {  	v2 =	vadd.f32 v2, v6;
	v0 =	vmul.f32 v0, v0;
	v1 =	vsub.f32 v1, v4;
	v7 =	vld [tilespmem:s31+$0xFFFFFFB0]  }
0x6a: {  	v4 =	vld [tilespmem:s25+$0xFFFFFFB0]  }
0x6b: {  	v0 =	vadd.f32 v0, v2;
	v1 =	vmul.f32 v1, v1;
	v6 =	vld [tilespmem:s31+$0xFFFFFFC0];
	v2 =	vsub.f32 v9, v5  }
0x6c: {  	v5 =	vld [tilespmem:s25+$0xFFFFFFC0]  }
0x6d: {  	v0 =	vadd.f32 v1, v0;
	v9 =	vld [tilespmem:s31+$0xFFFFFFD0];
	v3 =	vsub.f32 v8, v3;
	v2 =	vmul.f32 v2, v2  }
0x6e: {  	v8 =	vld [tilespmem:s25+$0xFFFFFFD0]  }
0x6f: {  	v1 =	vld [tilespmem:s31+$0xFFFFFFE0];
	v7 =	vsub.f32 v7, v4;
	v3 =	vmul.f32 v3, v3;
	v2 =	vadd.f32 v2, v0  }
0x70: {  	v4 =	vld [tilespmem:s25+$0xFFFFFFE0]  }
0x71: {  	v7 =	vmul.f32 v7, v7;
	v0 =	vld [tilespmem:s31+$0xFFFFFFF0];
	v5 =	vsub.f32 v6, v5;
	v10 =	vadd.f32 v3, v2  }
0x72: {  	v3 =	vld [tilespmem:s25+$0xFFFFFFF0]  }
0x73: {  	v8 =	vsub.f32 v9, v8;
	v2 =	vld [tilespmem:s31+$0x0];
	v6 =	vadd.f32 v7, v10;
	v7 =	vmul.f32 v5, v5  }
0x74: {  	s28 =	simm.s32 $0x4F10;
	s26 =	simm.s32 $0x0;
	v5 =	vld [tilespmem:s25+$0x0]  }
.LBB2_5:
0x75: {  	v9 =	vld [tilespmem:s28+$0xFFFFFF90];
	v6 =	vadd.f32 v7, v6;
	v7 =	vmul.f32 v8, v8;
	v1 =	vsub.f32 v1, v4;
	s25 =	sadd.s32 $0x80, s25  }
0x76: {  	s26 =	sadd.s32 $0x8, s26;
	v4 =	vld [tilespmem:s25+$0xFFFFFF90]  }
0x77: {  	p0 =	slt.u32 s26, $0x3E0;
	v8 =	vld [tilespmem:s28+$0xFFFFFFA0];
	v6 =	vadd.f32 v7, v6;
	v1 =	vmul.f32 v1, v1;
	v0 =	vsub.f32 v0, v3  }
0x78: {  	v3 =	vld [tilespmem:s25+$0xFFFFFFA0]  }
0x79: {  	v7 =	vld [tilespmem:s28+$0xFFFFFFB0];
	v1 =	vadd.f32 v1, v6;
	v0 =	vmul.f32 v0, v0;
	v2 =	vsub.f32 v2, v5  }
0x7a: {  	v5 =	vld [tilespmem:s25+$0xFFFFFFB0]  }
0x7b: {  	v4 =	vsub.f32 v9, v4;
	v6 =	vld [tilespmem:s28+$0xFFFFFFC0];
	v0 =	vadd.f32 v0, v1;
	v1 =	vmul.f32 v2, v2  }
0x7c: {  	v2 =	vld [tilespmem:s25+$0xFFFFFFC0]  }
0x7d: {  	v4 =	vmul.f32 v4, v4;
	v3 =	vsub.f32 v8, v3;
	v8 =	vld [tilespmem:s28+$0xFFFFFFD0];
	v0 =	vadd.f32 v1, v0  }
0x7e: {  	v9 =	vld [tilespmem:s25+$0xFFFFFFD0]  }
0x7f: {  	v0 =	vadd.f32 v4, v0;
	v3 =	vmul.f32 v3, v3;
	v5 =	vsub.f32 v7, v5;
	v1 =	vld [tilespmem:s28+$0xFFFFFFE0]  }
.Ltmp1:
0x80: {  	v4 =	vld [tilespmem:s25+$0xFFFFFFE0];
	(pc) =	sbr.rel @p0 .LBB2_5-.Ltmp1, $4  }
0x81: {  	v7 =	vadd.f32 v3, v0;
	v5 =	vmul.f32 v5, v5;
	v2 =	vsub.f32 v6, v2;
	v0 =	vld [tilespmem:s28+$0xFFFFFFF0]  }
0x82: {  	v3 =	vld [tilespmem:s25+$0xFFFFFFF0]  }
0x83: {  	v6 =	vadd.f32 v5, v7;
	v7 =	vmul.f32 v2, v2;
	v8 =	vsub.f32 v8, v9;
	v2 =	vld [tilespmem:s28+$0x0]  }
0x84: {  	s28 =	sadd.s32 $0x80, s28;
	v5 =	vld [tilespmem:s25+$0x0]  }
0x85: {  	v6 =	vadd.f32 v7, v6;
	v62 =	vmul.f32 v8, v8;
	v1 =	vsub.f32 v1, v4;
	_ =	sdelay $0x1  }
0x86: {  	s24 =	sadd.s32 $0x1, s24;
	v63 =	vadd.f32 v62, v6;
	v1 =	vmul.f32 v1, v1;
	v0 =	vsub.f32 v0, v3  }
0x87: {  	p0 =	sne.s32 s24, $0x32  }
.Ltmp2:
0x88: {  	v1 =	vadd.f32 v1, v63;
	v0 =	vmul.f32 v0, v0;
	v2 =	vsub.f32 v2, v5;
	(pc) =	sbr.rel @p0 .LBB2_2-.Ltmp2, $3  }
0x89: {  	_ = 	snop  }
0x8a: {  	v0 =	vadd.f32 v0, v1;
	v1 =	vmul.f32 v2, v2;
	_ =	sdelay $0x1  }
0x8b: {  	v0 =	vadd.f32 v1, v0  }
0x8c: {  	s23 =	sadd.s32 $0x1, s23  }
0x8d: {  	p0 =	sne.s32 s23, s11  }
.Ltmp3:
0x8e: {  	[tilespmem:$0x109A0] =	vst v0;
	(pc) =	sbr.rel @p0 .LBB2_1-.Ltmp3, $4  }
0x8f: {  	[hbm4b:s10+s2] =	stream.linear.scatter [tilespmem:s22], [sflag:$0x3], $0x10, $0x38;
	[tilespmem:$0x109B0] =	vst v63  }
0x90: {  	_ =	swait.ge [sflag:s12], $0x10  }
0x91: {  	[sflag:s12] =	ssyncset.done $0x0  }
0x92: {  	[sflag:s12] =	ssyncadd.s32 $0xFFFFFFF0  }
0x93: {  	_ =	sfence.sel $0x180000  }
0x94: {  	[bflag:$0x0] =	sbarrier.arrive $0xFFFF  }
0x95: {  	p0 =	sne.s32 s1, $0x0;
	_ =	strace $0x90000047  }
0x96: {  	s0 =	sadd.s32 @!p0 $0x100000, s0;
	[bflag:$0x2] =	sbarrier.arrive $0xFFFF  }
0x97: {  	[sflag:s0] =	ssyncadd.tile.s32 @!p0 $0x1;
	_ =	shalt  }
.Lfunc_end2:
_tile_overlayer_lowered:
.L_overlay_start_2:
0x98: {  	(tag) =	ssettag $0x2  }
0x99: {  	s0 =	rddreg [dreg:$0x0];
	s2 =	stileid.u32  }
0x9a: {  	s1 =	rddreg [dreg:$0x1];
	p0 =	sne.s32 s2, $0x0  }
0x9b: {  	s3 =	rddreg [dreg:$0x2];
	[bflag:$0x3] =	sbarrier.arrive $0xFFFF;
	s2 =	simm.s32 @!p0 $0x1C03  }
0x9c: {  	[timem:s3], [sflag:s2] =	dma.local @!p0 [hbm:s0], s1  }
0x9d: {  	s0 =	simm.s32 @!p0 $0x3  }
0x9e: {  	_ =	swait.ge @!p0 [sflag:s0], s1  }
0x9f: {  	s1 =	ssub.s32 @!p0 $0x0, s1;
	[sflag:s0] =	ssyncset.done @!p0 $0x0  }
0xa0: {  	[sflag:s0] =	ssyncadd.s32 @!p0 s1  }
0xa1: {  	[bflag:$0x3] =	sbarrier.arrive $0xFFFF  }
0xa2: {  	_ =	shalt  }

</sc_bundles>
